<compile_context>
chip_gen: v7x
topology: tpu7x:2x2x1
jax: 0.10.2.dev20260603
libtpu: 0.0.44.dev20260713+nightly
codegen_flags: <defaults>
</compile_context>

<pallas_src>
import functools

import jax
import jax.numpy as jnp
from jax import lax
from jax.experimental import pallas as pl
from jax.experimental.pallas import tpu as pltpu
from jax.experimental.pallas import tpu_sc as plsc

H = 768
L = 16
NC = 2
NS = 16
NW = NC * NS
SEQ = 512
EPS = 1e-5


NBUF = 4


def _sc_gather_body(ids_hbm, we_hbm, out_hbm, idx_v, rows_v,
                    gsem0, gsem1, gsem2, gsem3,
                    osem0, osem1, osem2, osem3, *, n_rows, k):
    cid = lax.axis_index("c")
    sid = lax.axis_index("s")
    wid = sid * NC + cid
    rows_per_worker = n_rows // NW
    n_chunks = rows_per_worker // k
    gsems = (gsem0, gsem1, gsem2, gsem3)
    osems = (osem0, osem1, osem2, osem3)
    base = wid * rows_per_worker

    def gather_start(g, b):
        row0 = base + g * k
        pltpu.sync_copy(ids_hbm.at[pl.ds(row0, k)], idx_v.at[b])
        pltpu.async_copy(we_hbm.at[idx_v.at[b]], rows_v.at[b], gsems[b])

    def gather_wait(b):
        pltpu.make_async_copy(we_hbm.at[idx_v.at[b]], rows_v.at[b],
                              gsems[b]).wait()

    def out_start(g, b):
        row0 = base + g * k
        pltpu.async_copy(rows_v.at[b], out_hbm.at[pl.ds(row0, k)], osems[b])

    def out_wait(b):
        pltpu.make_async_copy(rows_v.at[b], out_hbm.at[pl.ds(base, k)],
                              osems[b]).wait()

    gather_start(0, 0)
    gather_start(1, 1)

    def pipe(i, carry):
        for u in range(NBUF):
            b = u
            g = NBUF * i + u
            ng = g + 2
            nb = (u + 2) % NBUF

            @pl.when(ng < n_chunks)
            def _prefetch():
                @pl.when(ng >= NBUF)
                def _():
                    out_wait(nb)

                gather_start(ng, nb)

            gather_wait(b)
            out_start(g, b)
        return carry

    lax.fori_loop(0, n_chunks // NBUF, pipe, 0)
    for b in range(NBUF):
        out_wait(b)


def _sc_gather(input_ids_flat, word_embeddings, n_rows):
    k = 32
    mesh = plsc.VectorSubcoreMesh(core_axis_name="c", subcore_axis_name="s",
                                  num_cores=NC, num_subcores=NS)
    body = functools.partial(_sc_gather_body, n_rows=n_rows, k=k)
    run = pl.kernel(
        body,
        out_type=jax.ShapeDtypeStruct((n_rows, H), jnp.float32),
        mesh=mesh,
        compiler_params=pltpu.CompilerParams(needs_layout_passes=False),
        scratch_types=(
            [pltpu.VMEM((NBUF, k), jnp.int32),
             pltpu.VMEM((NBUF, k, H), jnp.float32)]
            + [pltpu.SemaphoreType.DMA] * (2 * NBUF)
        ),
        name="bert_embed_gather_sc",
    )
    return run(input_ids_flat, word_embeddings)


def _tc_ln_body(g_ref, pe_ref, tte_ref, gamma_ref, beta_ref, o_ref):
    x = g_ref[...] + pe_ref[...] + tte_ref[...]
    mean = jnp.mean(x, axis=1, keepdims=True)
    xc = x - mean
    var = jnp.mean(xc * xc, axis=1, keepdims=True)
    o_ref[...] = (xc * lax.rsqrt(var + EPS)) * gamma_ref[...] + beta_ref[...]


def _tc_ln(gathered, position_embeddings, tte_row, gamma2d, beta2d, n_rows):
    br = SEQ
    n_blocks = n_rows // br
    return pl.pallas_call(
        _tc_ln_body,
        grid=(n_blocks,),
        in_specs=[
            pl.BlockSpec((br, H), lambda i: (i, 0)),
            pl.BlockSpec((br, H), lambda i: (0, 0)),
            pl.BlockSpec((1, H), lambda i: (0, 0)),
            pl.BlockSpec((1, H), lambda i: (0, 0)),
            pl.BlockSpec((1, H), lambda i: (0, 0)),
        ],
        out_specs=pl.BlockSpec((br, H), lambda i: (i, 0)),
        out_shape=jax.ShapeDtypeStruct((n_rows, H), jnp.float32),
        name="bert_embed_ln_tc",
    )(gathered, position_embeddings, tte_row, gamma2d, beta2d)


def kernel(input_ids, word_embeddings, position_embeddings,
           token_type_embeddings, ln_gamma, ln_beta):
    b, seq = input_ids.shape
    n_rows = b * seq
    nparts = 1
    part = n_rows // nparts
    ids_flat = input_ids.reshape(n_rows)
    tte_row = token_type_embeddings[0].reshape(1, H)
    gamma2d = ln_gamma.reshape(1, H)
    beta2d = ln_beta.reshape(1, H)
    outs = []
    for p in range(nparts):
        gathered = _sc_gather(lax.dynamic_slice_in_dim(ids_flat, p * part, part),
                              word_embeddings, part)
        outs.append(_tc_ln(gathered, position_embeddings, tte_row,
                           gamma2d, beta2d, part))
    return jnp.concatenate(outs, axis=0).reshape(b, seq, H)

# --- scband reference (transcript-rebuilt; emitter-appended) ---
"""Pipeline reference for scband-meta-bert-embeddings-17411797418602 (READ-ONLY COPY).

The authoritative reference and input builder live on the scoring server;
editing this copy changes nothing except your own understanding.
"""

import jax, jax.numpy as jnp
import numpy as np

VOCAB = 30522
HIDDEN = 768
MAX_POS = 512
TYPES = 2
EPS = 1e-5


def setup_inputs(seed: int = 0) -> dict:
    key = jax.random.key(seed)
    k1, k2, k3, k4 = jax.random.split(key, 4)
    input_ids = jax.random.randint(k1, (128, 512), 0, VOCAB, dtype=jnp.int64 if jax.config.jax_enable_x64 else jnp.int32).astype(jnp.int32)
    word_embeddings = jax.random.normal(k2, (VOCAB, HIDDEN), dtype=jnp.float32) * 0.02
    # padding_idx=0 row is zeros in torch
    word_embeddings = word_embeddings.at[0].set(0.0)
    position_embeddings = jax.random.normal(k3, (MAX_POS, HIDDEN), dtype=jnp.float32) * 0.02
    token_type_embeddings = jax.random.normal(k4, (TYPES, HIDDEN), dtype=jnp.float32) * 0.02
    ln_gamma = jnp.ones((HIDDEN,), dtype=jnp.float32)
    ln_beta = jnp.zeros((HIDDEN,), dtype=jnp.float32)
    return {
        "input_ids": input_ids,
        "word_embeddings": word_embeddings,
        "position_embeddings": position_embeddings,
        "token_type_embeddings": token_type_embeddings,
        "ln_gamma": ln_gamma,
        "ln_beta": ln_beta,
    }


def _layer_norm(x, gamma, beta):
    mean = jnp.mean(x, axis=-1, keepdims=True)
    var = jnp.mean(jnp.square(x - mean), axis=-1, keepdims=True)
    return (x - mean) / jnp.sqrt(var + EPS) * gamma + beta


def reference(input_ids, word_embeddings, position_embeddings, token_type_embeddings, ln_gamma, ln_beta):
    B, S = input_ids.shape
    position_ids = jnp.broadcast_to(jnp.arange(S, dtype=jnp.int32)[None, :], (B, S))
    token_type_ids = jnp.zeros((B, S), dtype=jnp.int32)
    inputs_embeds = jnp.take(word_embeddings, input_ids, axis=0)
    pos_emb = jnp.take(position_embeddings, position_ids, axis=0)
    tok_emb = jnp.take(token_type_embeddings, token_type_ids, axis=0)
    embeddings = inputs_embeds + pos_emb + tok_emb
    embeddings = _layer_norm(embeddings, ln_gamma, ln_beta)
    # dropout p=0 -> identity
    return embeddings

if __name__ == "__main__":
    import jax
    _d = setup_inputs()
    print(jax.jit(kernel)(*tuple(_d.values())))

</pallas_src>

<mosaic_0001>
#map = affine_map<(d0, d1) -> (0)>
#map1 = affine_map<(d0, d1) -> (0, 0)>
module attributes {stable_mosaic.version = 14 : i64} {
  func.func @bert_embed_gather_sc(%arg0: i32, %arg1: i32, %arg2: memref<65536xi32, #tpu.memory_space<hbm>>, %arg3: memref<30522x768xf32, #tpu.memory_space<hbm>>, %arg4: memref<65536x768xf32, #tpu.memory_space<hbm>>, %arg5: memref<4x32xi32, #tpu.memory_space<vmem>>, %arg6: memref<4x32x768xf32, #tpu.memory_space<vmem>>, %arg7: memref<!tpu.dma_semaphore, #tpu.memory_space<semaphore_mem>>, %arg8: memref<!tpu.dma_semaphore, #tpu.memory_space<semaphore_mem>>, %arg9: memref<!tpu.dma_semaphore, #tpu.memory_space<semaphore_mem>>, %arg10: memref<!tpu.dma_semaphore, #tpu.memory_space<semaphore_mem>>, %arg11: memref<!tpu.dma_semaphore, #tpu.memory_space<semaphore_mem>>, %arg12: memref<!tpu.dma_semaphore, #tpu.memory_space<semaphore_mem>>, %arg13: memref<!tpu.dma_semaphore, #tpu.memory_space<semaphore_mem>>, %arg14: memref<!tpu.dma_semaphore, #tpu.memory_space<semaphore_mem>>) attributes {dimension_semantics = [#tpu.dimension_semantics<core_parallel>, #tpu.dimension_semantics<subcore_parallel>], iteration_bounds = array<i64: 2, 16>, scalar_prefetch = 0 : i64, scratch_operands = 10 : i64, tpu.core_type = #tpu.core_type<sc_vector_subcore>, window_params = [{transform_indices = #map}, {transform_indices = #map1}, {transform_indices = #map1}]} {
    %mul3A = arith.constant 2 : i32
    %mul3A_0 = arith.muli %arg1, %mul3A : i32
    %add3A = arith.addi %mul3A_0, %arg0 : i32
    %mul3A_1 = arith.constant 2048 : i32
    %mul3A_2 = arith.muli %add3A, %mul3A_1 : i32
    %add3A_3 = arith.constant 0 : i32
    %add3A_4 = arith.addi %mul3A_2, %add3A_3 : i32
    %run_scoped3A = arith.constant 0 : i32
    "tpu.region"() ({
      %run_scoped3A_87 = tpu.sem_alloc : memref<!tpu.dma_semaphore, #tpu.memory_space<semaphore_mem>>
      %dma_start3A_88 = arith.constant 0 : i32
      %dma_start3A_89 = tpu.memref_slice %arg5[%run_scoped3A, %dma_start3A_88] : memref<4x32xi32, #tpu.memory_space<vmem>> -> memref<1x32xi32, #tpu.memory_space<vmem>>
      %dma_start3A_90 = tpu.memref_squeeze %dma_start3A_89 : memref<1x32xi32, #tpu.memory_space<vmem>> -> memref<32xi32, #tpu.memory_space<vmem>>
      %dma_start3A_91 = tpu.memref_slice %arg2[%add3A_4] : memref<65536xi32, #tpu.memory_space<hbm>> -> memref<32xi32, #tpu.memory_space<hbm>>
      %dma_start3A_92 = arith.constant 0 : i32
      %dma_start3A_93 = tpu.memref_slice %arg5[%run_scoped3A, %dma_start3A_92] : memref<4x32xi32, #tpu.memory_space<vmem>> -> memref<1x32xi32, #tpu.memory_space<vmem>>
      %dma_start3A_94 = tpu.memref_squeeze %dma_start3A_93 : memref<1x32xi32, #tpu.memory_space<vmem>> -> memref<32xi32, #tpu.memory_space<vmem>>
      %dma_start3A_95 = tpu.memref_slice %arg2[%add3A_4] : memref<65536xi32, #tpu.memory_space<hbm>> -> memref<32xi32, #tpu.memory_space<hbm>>
      tpu.enqueue_dma source(%dma_start3A_95 : memref<32xi32, #tpu.memory_space<hbm>>) target(%dma_start3A_94 : memref<32xi32, #tpu.memory_space<vmem>>) target_semaphore(%run_scoped3A_87 : memref<!tpu.dma_semaphore, #tpu.memory_space<semaphore_mem>>)
      %dma_wait3A_96 = arith.constant 0 : i32
      %dma_wait3A_97 = tpu.memref_slice %arg5[%run_scoped3A, %dma_wait3A_96] : memref<4x32xi32, #tpu.memory_space<vmem>> -> memref<1x32xi32, #tpu.memory_space<vmem>>
      %dma_wait3A_98 = tpu.memref_squeeze %dma_wait3A_97 : memref<1x32xi32, #tpu.memory_space<vmem>> -> memref<32xi32, #tpu.memory_space<vmem>>
      %dma_wait3A_99 = tpu.memref_slice %arg2[%add3A_4] : memref<65536xi32, #tpu.memory_space<hbm>> -> memref<32xi32, #tpu.memory_space<hbm>>
      %dma_wait3A_100 = arith.constant 0 : i32
      %dma_wait3A_101 = tpu.memref_slice %arg5[%run_scoped3A, %dma_wait3A_100] : memref<4x32xi32, #tpu.memory_space<vmem>> -> memref<1x32xi32, #tpu.memory_space<vmem>>
      %dma_wait3A_102 = tpu.memref_squeeze %dma_wait3A_101 : memref<1x32xi32, #tpu.memory_space<vmem>> -> memref<32xi32, #tpu.memory_space<vmem>>
      %dma_wait3A_103 = tpu.memref_slice %arg2[%add3A_4] : memref<65536xi32, #tpu.memory_space<hbm>> -> memref<32xi32, #tpu.memory_space<hbm>>
      tpu.wait_dma2 semaphore(%run_scoped3A_87 : memref<!tpu.dma_semaphore, #tpu.memory_space<semaphore_mem>>) src(%dma_wait3A_103 : memref<32xi32, #tpu.memory_space<hbm>>) dst(%dma_wait3A_102 : memref<32xi32, #tpu.memory_space<vmem>>)
      tpu.yield
    }) : () -> ()
    %dma_start3A = arith.constant 0 : i32
    %dma_start3A_5 = arith.constant 0 : i32
    %dma_start3A_6 = arith.constant 0 : i32
    %dma_start3A_7 = arith.constant 0 : i32
    %dma_start3A_8 = tpu.memref_slice %arg6[%dma_start3A_5, %dma_start3A_6, %dma_start3A_7] : memref<4x32x768xf32, #tpu.memory_space<vmem>> -> memref<1x32x768xf32, #tpu.memory_space<vmem>>
    %dma_start3A_9 = tpu.memref_squeeze %dma_start3A_8 : memref<1x32x768xf32, #tpu.memory_space<vmem>> -> memref<32x768xf32, #tpu.memory_space<vmem>>
    %dma_start3A_10 = arith.constant 0 : i32
    %dma_start3A_11 = tpu.memref_slice %arg5[%dma_start3A, %dma_start3A_10] : memref<4x32xi32, #tpu.memory_space<vmem>> -> memref<1x32xi32, #tpu.memory_space<vmem>>
    %dma_start3A_12 = tpu.memref_squeeze %dma_start3A_11 : memref<1x32xi32, #tpu.memory_space<vmem>> -> memref<32xi32, #tpu.memory_space<vmem>>
    %dma_start3A_13 = arith.constant 0 : i32
    %dma_start3A_14 = arith.constant 0 : i32
    %dma_start3A_15 = tpu.memref_slice %arg3[%dma_start3A_13, %dma_start3A_14] : memref<30522x768xf32, #tpu.memory_space<hbm>> -> memref<30522x768xf32, #tpu.memory_space<hbm>>
    tpu.enqueue_indirect_dma source(%dma_start3A_15 : memref<30522x768xf32, #tpu.memory_space<hbm>>) target(%dma_start3A_9 : memref<32x768xf32, #tpu.memory_space<vmem>>) offsets(%dma_start3A_12 : memref<32xi32, #tpu.memory_space<vmem>>) semaphore(%arg7 : memref<!tpu.dma_semaphore, #tpu.memory_space<semaphore_mem>>)
    %add3A_16 = arith.constant 32 : i32
    %add3A_17 = arith.addi %mul3A_2, %add3A_16 : i32
    %run_scoped3A_18 = arith.constant 1 : i32
    "tpu.region"() ({
      %run_scoped3A_87 = tpu.sem_alloc : memref<!tpu.dma_semaphore, #tpu.memory_space<semaphore_mem>>
      %dma_start3A_88 = arith.constant 0 : i32
      %dma_start3A_89 = tpu.memref_slice %arg5[%run_scoped3A_18, %dma_start3A_88] : memref<4x32xi32, #tpu.memory_space<vmem>> -> memref<1x32xi32, #tpu.memory_space<vmem>>
      %dma_start3A_90 = tpu.memref_squeeze %dma_start3A_89 : memref<1x32xi32, #tpu.memory_space<vmem>> -> memref<32xi32, #tpu.memory_space<vmem>>
      %dma_start3A_91 = tpu.memref_slice %arg2[%add3A_17] : memref<65536xi32, #tpu.memory_space<hbm>> -> memref<32xi32, #tpu.memory_space<hbm>>
      %dma_start3A_92 = arith.constant 0 : i32
      %dma_start3A_93 = tpu.memref_slice %arg5[%run_scoped3A_18, %dma_start3A_92] : memref<4x32xi32, #tpu.memory_space<vmem>> -> memref<1x32xi32, #tpu.memory_space<vmem>>
      %dma_start3A_94 = tpu.memref_squeeze %dma_start3A_93 : memref<1x32xi32, #tpu.memory_space<vmem>> -> memref<32xi32, #tpu.memory_space<vmem>>
      %dma_start3A_95 = tpu.memref_slice %arg2[%add3A_17] : memref<65536xi32, #tpu.memory_space<hbm>> -> memref<32xi32, #tpu.memory_space<hbm>>
      tpu.enqueue_dma source(%dma_start3A_95 : memref<32xi32, #tpu.memory_space<hbm>>) target(%dma_start3A_94 : memref<32xi32, #tpu.memory_space<vmem>>) target_semaphore(%run_scoped3A_87 : memref<!tpu.dma_semaphore, #tpu.memory_space<semaphore_mem>>)
      %dma_wait3A_96 = arith.constant 0 : i32
      %dma_wait3A_97 = tpu.memref_slice %arg5[%run_scoped3A_18, %dma_wait3A_96] : memref<4x32xi32, #tpu.memory_space<vmem>> -> memref<1x32xi32, #tpu.memory_space<vmem>>
      %dma_wait3A_98 = tpu.memref_squeeze %dma_wait3A_97 : memref<1x32xi32, #tpu.memory_space<vmem>> -> memref<32xi32, #tpu.memory_space<vmem>>
      %dma_wait3A_99 = tpu.memref_slice %arg2[%add3A_17] : memref<65536xi32, #tpu.memory_space<hbm>> -> memref<32xi32, #tpu.memory_space<hbm>>
      %dma_wait3A_100 = arith.constant 0 : i32
      %dma_wait3A_101 = tpu.memref_slice %arg5[%run_scoped3A_18, %dma_wait3A_100] : memref<4x32xi32, #tpu.memory_space<vmem>> -> memref<1x32xi32, #tpu.memory_space<vmem>>
      %dma_wait3A_102 = tpu.memref_squeeze %dma_wait3A_101 : memref<1x32xi32, #tpu.memory_space<vmem>> -> memref<32xi32, #tpu.memory_space<vmem>>
      %dma_wait3A_103 = tpu.memref_slice %arg2[%add3A_17] : memref<65536xi32, #tpu.memory_space<hbm>> -> memref<32xi32, #tpu.memory_space<hbm>>
      tpu.wait_dma2 semaphore(%run_scoped3A_87 : memref<!tpu.dma_semaphore, #tpu.memory_space<semaphore_mem>>) src(%dma_wait3A_103 : memref<32xi32, #tpu.memory_space<hbm>>) dst(%dma_wait3A_102 : memref<32xi32, #tpu.memory_space<vmem>>)
      tpu.yield
    }) : () -> ()
    %dma_start3A_19 = arith.constant 1 : i32
    %dma_start3A_20 = arith.constant 1 : i32
    %dma_start3A_21 = arith.constant 0 : i32
    %dma_start3A_22 = arith.constant 0 : i32
    %dma_start3A_23 = tpu.memref_slice %arg6[%dma_start3A_20, %dma_start3A_21, %dma_start3A_22] : memref<4x32x768xf32, #tpu.memory_space<vmem>> -> memref<1x32x768xf32, #tpu.memory_space<vmem>>
    %dma_start3A_24 = tpu.memref_squeeze %dma_start3A_23 : memref<1x32x768xf32, #tpu.memory_space<vmem>> -> memref<32x768xf32, #tpu.memory_space<vmem>>
    %dma_start3A_25 = arith.constant 0 : i32
    %dma_start3A_26 = tpu.memref_slice %arg5[%dma_start3A_19, %dma_start3A_25] : memref<4x32xi32, #tpu.memory_space<vmem>> -> memref<1x32xi32, #tpu.memory_space<vmem>>
    %dma_start3A_27 = tpu.memref_squeeze %dma_start3A_26 : memref<1x32xi32, #tpu.memory_space<vmem>> -> memref<32xi32, #tpu.memory_space<vmem>>
    %dma_start3A_28 = arith.constant 0 : i32
    %dma_start3A_29 = arith.constant 0 : i32
    %dma_start3A_30 = tpu.memref_slice %arg3[%dma_start3A_28, %dma_start3A_29] : memref<30522x768xf32, #tpu.memory_space<hbm>> -> memref<30522x768xf32, #tpu.memory_space<hbm>>
    tpu.enqueue_indirect_dma source(%dma_start3A_30 : memref<30522x768xf32, #tpu.memory_space<hbm>>) target(%dma_start3A_24 : memref<32x768xf32, #tpu.memory_space<vmem>>) offsets(%dma_start3A_27 : memref<32xi32, #tpu.memory_space<vmem>>) semaphore(%arg8 : memref<!tpu.dma_semaphore, #tpu.memory_space<semaphore_mem>>)
    %scan3A = arith.constant 0 : i32
    %scan3A_31 = arith.constant 0 : i32
    %scan3A_32 = arith.constant 16 : i32
    %scan3A_33 = arith.addi %scan3A_31, %scan3A_32 : i32
    %scan3A_34 = arith.constant 1 : i32
    scf.for %scan3A_87 = %scan3A_31 to %scan3A_33 step %scan3A_34  : i32 {
      %mul3A_88 = arith.constant 4 : i32
      %mul3A_89 = arith.muli %mul3A_88, %scan3A_87 : i32
      %add3A_90 = arith.constant 0 : i32
      %add3A_91 = arith.addi %mul3A_89, %add3A_90 : i32
      %add3A_92 = arith.constant 2 : i32
      %add3A_93 = arith.addi %add3A_91, %add3A_92 : i32
      %lt3A = arith.constant 64 : i32
      %lt3A_94 = arith.cmpi slt, %add3A_93, %lt3A : i32
      %convert_element_type3A = arith.extui %lt3A_94 : i1 to i32
      %cond3A = arith.constant 0 : i32
      %cond3A_95 = arith.cmpi ne, %convert_element_type3A, %cond3A : i32
      scf.if %cond3A_95 {
        %ge3A = arith.constant 4 : i32
        %ge3A_241 = arith.cmpi sge, %add3A_93, %ge3A : i32
        %convert_element_type3A_242 = arith.extui %ge3A_241 : i1 to i32
        %cond3A_243 = arith.constant 0 : i32
        %cond3A_244 = arith.cmpi ne, %convert_element_type3A_242, %cond3A_243 : i32
        scf.if %cond3A_244 {
          %dma_wait3A_261 = arith.constant 2 : i32
          %dma_wait3A_262 = arith.constant 0 : i32
          %dma_wait3A_263 = arith.constant 0 : i32
          %dma_wait3A_264 = tpu.memref_slice %arg6[%dma_wait3A_261, %dma_wait3A_262, %dma_wait3A_263] : memref<4x32x768xf32, #tpu.memory_space<vmem>> -> memref<1x32x768xf32, #tpu.memory_space<vmem>>
          %dma_wait3A_265 = tpu.memref_squeeze %dma_wait3A_264 : memref<1x32x768xf32, #tpu.memory_space<vmem>> -> memref<32x768xf32, #tpu.memory_space<vmem>>
          %dma_wait3A_266 = arith.constant 0 : i32
          %dma_wait3A_267 = tpu.memref_slice %arg4[%mul3A_2, %dma_wait3A_266] : memref<65536x768xf32, #tpu.memory_space<hbm>> -> memref<32x768xf32, #tpu.memory_space<hbm>>
          %dma_wait3A_268 = arith.constant 0 : i32
          %dma_wait3A_269 = tpu.memref_slice %arg4[%mul3A_2, %dma_wait3A_268] : memref<65536x768xf32, #tpu.memory_space<hbm>> -> memref<32x768xf32, #tpu.memory_space<hbm>>
          %dma_wait3A_270 = arith.constant 0 : i32
          %dma_wait3A_271 = arith.constant 0 : i32
          %dma_wait3A_272 = tpu.memref_slice %arg6[%dma_wait3A_261, %dma_wait3A_270, %dma_wait3A_271] : memref<4x32x768xf32, #tpu.memory_space<vmem>> -> memref<1x32x768xf32, #tpu.memory_space<vmem>>
          %dma_wait3A_273 = tpu.memref_squeeze %dma_wait3A_272 : memref<1x32x768xf32, #tpu.memory_space<vmem>> -> memref<32x768xf32, #tpu.memory_space<vmem>>
          tpu.wait_dma2 semaphore(%arg13 : memref<!tpu.dma_semaphore, #tpu.memory_space<semaphore_mem>>) src(%dma_wait3A_273 : memref<32x768xf32, #tpu.memory_space<vmem>>) dst(%dma_wait3A_269 : memref<32x768xf32, #tpu.memory_space<hbm>>)
        } else {
        }
        %mul3A_245 = arith.constant 32 : i32
        %mul3A_246 = arith.muli %add3A_93, %mul3A_245 : i32
        %add3A_247 = arith.addi %mul3A_2, %mul3A_246 : i32
        %run_scoped3A_248 = arith.constant 2 : i32
        "tpu.region"() ({
          %run_scoped3A_261 = tpu.sem_alloc : memref<!tpu.dma_semaphore, #tpu.memory_space<semaphore_mem>>
          %dma_start3A_262 = arith.constant 0 : i32
          %dma_start3A_263 = tpu.memref_slice %arg5[%run_scoped3A_248, %dma_start3A_262] : memref<4x32xi32, #tpu.memory_space<vmem>> -> memref<1x32xi32, #tpu.memory_space<vmem>>
          %dma_start3A_264 = tpu.memref_squeeze %dma_start3A_263 : memref<1x32xi32, #tpu.memory_space<vmem>> -> memref<32xi32, #tpu.memory_space<vmem>>
          %dma_start3A_265 = tpu.memref_slice %arg2[%add3A_247] : memref<65536xi32, #tpu.memory_space<hbm>> -> memref<32xi32, #tpu.memory_space<hbm>>
          %dma_start3A_266 = arith.constant 0 : i32
          %dma_start3A_267 = tpu.memref_slice %arg5[%run_scoped3A_248, %dma_start3A_266] : memref<4x32xi32, #tpu.memory_space<vmem>> -> memref<1x32xi32, #tpu.memory_space<vmem>>
          %dma_start3A_268 = tpu.memref_squeeze %dma_start3A_267 : memref<1x32xi32, #tpu.memory_space<vmem>> -> memref<32xi32, #tpu.memory_space<vmem>>
          %dma_start3A_269 = tpu.memref_slice %arg2[%add3A_247] : memref<65536xi32, #tpu.memory_space<hbm>> -> memref<32xi32, #tpu.memory_space<hbm>>
          tpu.enqueue_dma source(%dma_start3A_269 : memref<32xi32, #tpu.memory_space<hbm>>) target(%dma_start3A_268 : memref<32xi32, #tpu.memory_space<vmem>>) target_semaphore(%run_scoped3A_261 : memref<!tpu.dma_semaphore, #tpu.memory_space<semaphore_mem>>)
          %dma_wait3A_270 = arith.constant 0 : i32
          %dma_wait3A_271 = tpu.memref_slice %arg5[%run_scoped3A_248, %dma_wait3A_270] : memref<4x32xi32, #tpu.memory_space<vmem>> -> memref<1x32xi32, #tpu.memory_space<vmem>>
          %dma_wait3A_272 = tpu.memref_squeeze %dma_wait3A_271 : memref<1x32xi32, #tpu.memory_space<vmem>> -> memref<32xi32, #tpu.memory_space<vmem>>
          %dma_wait3A_273 = tpu.memref_slice %arg2[%add3A_247] : memref<65536xi32, #tpu.memory_space<hbm>> -> memref<32xi32, #tpu.memory_space<hbm>>
          %dma_wait3A_274 = arith.constant 0 : i32
          %dma_wait3A_275 = tpu.memref_slice %arg5[%run_scoped3A_248, %dma_wait3A_274] : memref<4x32xi32, #tpu.memory_space<vmem>> -> memref<1x32xi32, #tpu.memory_space<vmem>>
          %dma_wait3A_276 = tpu.memref_squeeze %dma_wait3A_275 : memref<1x32xi32, #tpu.memory_space<vmem>> -> memref<32xi32, #tpu.memory_space<vmem>>
          %dma_wait3A_277 = tpu.memref_slice %arg2[%add3A_247] : memref<65536xi32, #tpu.memory_space<hbm>> -> memref<32xi32, #tpu.memory_space<hbm>>
          tpu.wait_dma2 semaphore(%run_scoped3A_261 : memref<!tpu.dma_semaphore, #tpu.memory_space<semaphore_mem>>) src(%dma_wait3A_277 : memref<32xi32, #tpu.memory_space<hbm>>) dst(%dma_wait3A_276 : memref<32xi32, #tpu.memory_space<vmem>>)
          tpu.yield
        }) : () -> ()
        %dma_start3A_249 = arith.constant 2 : i32
        %dma_start3A_250 = arith.constant 2 : i32
        %dma_start3A_251 = arith.constant 0 : i32
        %dma_start3A_252 = arith.constant 0 : i32
        %dma_start3A_253 = tpu.memref_slice %arg6[%dma_start3A_250, %dma_start3A_251, %dma_start3A_252] : memref<4x32x768xf32, #tpu.memory_space<vmem>> -> memref<1x32x768xf32, #tpu.memory_space<vmem>>
        %dma_start3A_254 = tpu.memref_squeeze %dma_start3A_253 : memref<1x32x768xf32, #tpu.memory_space<vmem>> -> memref<32x768xf32, #tpu.memory_space<vmem>>
        %dma_start3A_255 = arith.constant 0 : i32
        %dma_start3A_256 = tpu.memref_slice %arg5[%dma_start3A_249, %dma_start3A_255] : memref<4x32xi32, #tpu.memory_space<vmem>> -> memref<1x32xi32, #tpu.memory_space<vmem>>
        %dma_start3A_257 = tpu.memref_squeeze %dma_start3A_256 : memref<1x32xi32, #tpu.memory_space<vmem>> -> memref<32xi32, #tpu.memory_space<vmem>>
        %dma_start3A_258 = arith.constant 0 : i32
        %dma_start3A_259 = arith.constant 0 : i32
        %dma_start3A_260 = tpu.memref_slice %arg3[%dma_start3A_258, %dma_start3A_259] : memref<30522x768xf32, #tpu.memory_space<hbm>> -> memref<30522x768xf32, #tpu.memory_space<hbm>>
        tpu.enqueue_indirect_dma source(%dma_start3A_260 : memref<30522x768xf32, #tpu.memory_space<hbm>>) target(%dma_start3A_254 : memref<32x768xf32, #tpu.memory_space<vmem>>) offsets(%dma_start3A_257 : memref<32xi32, #tpu.memory_space<vmem>>) semaphore(%arg9 : memref<!tpu.dma_semaphore, #tpu.memory_space<semaphore_mem>>)
      } else {
      }
      %dma_wait3A_96 = arith.constant 0 : i32
      %dma_wait3A_97 = arith.constant 0 : i32
      %dma_wait3A_98 = arith.constant 0 : i32
      %dma_wait3A_99 = arith.constant 0 : i32
      %dma_wait3A_100 = tpu.memref_slice %arg6[%dma_wait3A_97, %dma_wait3A_98, %dma_wait3A_99] : memref<4x32x768xf32, #tpu.memory_space<vmem>> -> memref<1x32x768xf32, #tpu.memory_space<vmem>>
      %dma_wait3A_101 = tpu.memref_squeeze %dma_wait3A_100 : memref<1x32x768xf32, #tpu.memory_space<vmem>> -> memref<32x768xf32, #tpu.memory_space<vmem>>
      %dma_wait3A_102 = arith.constant 0 : i32
      %dma_wait3A_103 = tpu.memref_slice %arg5[%dma_wait3A_96, %dma_wait3A_102] : memref<4x32xi32, #tpu.memory_space<vmem>> -> memref<1x32xi32, #tpu.memory_space<vmem>>
      %dma_wait3A_104 = tpu.memref_squeeze %dma_wait3A_103 : memref<1x32xi32, #tpu.memory_space<vmem>> -> memref<32xi32, #tpu.memory_space<vmem>>
      %dma_wait3A_105 = arith.constant 0 : i32
      %dma_wait3A_106 = arith.constant 0 : i32
      %dma_wait3A_107 = tpu.memref_slice %arg3[%dma_wait3A_105, %dma_wait3A_106] : memref<30522x768xf32, #tpu.memory_space<hbm>> -> memref<30522x768xf32, #tpu.memory_space<hbm>>
      tpu.wait_indirect_dma semaphore(%arg7 : memref<!tpu.dma_semaphore, #tpu.memory_space<semaphore_mem>>) src(%dma_wait3A_107 : memref<30522x768xf32, #tpu.memory_space<hbm>>) dst(%dma_wait3A_101 : memref<32x768xf32, #tpu.memory_space<vmem>>)
      %mul3A_108 = arith.constant 32 : i32
      %mul3A_109 = arith.muli %add3A_91, %mul3A_108 : i32
      %add3A_110 = arith.addi %mul3A_2, %mul3A_109 : i32
      %dma_start3A_111 = arith.constant 0 : i32
      %dma_start3A_112 = arith.constant 0 : i32
      %dma_start3A_113 = arith.constant 0 : i32
      %dma_start3A_114 = tpu.memref_slice %arg6[%dma_start3A_111, %dma_start3A_112, %dma_start3A_113] : memref<4x32x768xf32, #tpu.memory_space<vmem>> -> memref<1x32x768xf32, #tpu.memory_space<vmem>>
      %dma_start3A_115 = tpu.memref_squeeze %dma_start3A_114 : memref<1x32x768xf32, #tpu.memory_space<vmem>> -> memref<32x768xf32, #tpu.memory_space<vmem>>
      %dma_start3A_116 = arith.constant 0 : i32
      %dma_start3A_117 = tpu.memref_slice %arg4[%add3A_110, %dma_start3A_116] : memref<65536x768xf32, #tpu.memory_space<hbm>> -> memref<32x768xf32, #tpu.memory_space<hbm>>
      %dma_start3A_118 = arith.constant 0 : i32
      %dma_start3A_119 = tpu.memref_slice %arg4[%add3A_110, %dma_start3A_118] : memref<65536x768xf32, #tpu.memory_space<hbm>> -> memref<32x768xf32, #tpu.memory_space<hbm>>
      %dma_start3A_120 = arith.constant 0 : i32
      %dma_start3A_121 = arith.constant 0 : i32
      %dma_start3A_122 = tpu.memref_slice %arg6[%dma_start3A_111, %dma_start3A_120, %dma_start3A_121] : memref<4x32x768xf32, #tpu.memory_space<vmem>> -> memref<1x32x768xf32, #tpu.memory_space<vmem>>
      %dma_start3A_123 = tpu.memref_squeeze %dma_start3A_122 : memref<1x32x768xf32, #tpu.memory_space<vmem>> -> memref<32x768xf32, #tpu.memory_space<vmem>>
      tpu.enqueue_dma source(%dma_start3A_123 : memref<32x768xf32, #tpu.memory_space<vmem>>) target(%dma_start3A_119 : memref<32x768xf32, #tpu.memory_space<hbm>>) target_semaphore(%arg11 : memref<!tpu.dma_semaphore, #tpu.memory_space<semaphore_mem>>)
      %mul3A_124 = arith.constant 4 : i32
      %mul3A_125 = arith.muli %mul3A_124, %scan3A_87 : i32
      %add3A_126 = arith.constant 1 : i32
      %add3A_127 = arith.addi %mul3A_125, %add3A_126 : i32
      %add3A_128 = arith.constant 2 : i32
      %add3A_129 = arith.addi %add3A_127, %add3A_128 : i32
      %lt3A_130 = arith.constant 64 : i32
      %lt3A_131 = arith.cmpi slt, %add3A_129, %lt3A_130 : i32
      %convert_element_type3A_132 = arith.extui %lt3A_131 : i1 to i32
      %cond3A_133 = arith.constant 0 : i32
      %cond3A_134 = arith.cmpi ne, %convert_element_type3A_132, %cond3A_133 : i32
      scf.if %cond3A_134 {
        %ge3A = arith.constant 4 : i32
        %ge3A_241 = arith.cmpi sge, %add3A_129, %ge3A : i32
        %convert_element_type3A_242 = arith.extui %ge3A_241 : i1 to i32
        %cond3A_243 = arith.constant 0 : i32
        %cond3A_244 = arith.cmpi ne, %convert_element_type3A_242, %cond3A_243 : i32
        scf.if %cond3A_244 {
          %dma_wait3A_261 = arith.constant 3 : i32
          %dma_wait3A_262 = arith.constant 0 : i32
          %dma_wait3A_263 = arith.constant 0 : i32
          %dma_wait3A_264 = tpu.memref_slice %arg6[%dma_wait3A_261, %dma_wait3A_262, %dma_wait3A_263] : memref<4x32x768xf32, #tpu.memory_space<vmem>> -> memref<1x32x768xf32, #tpu.memory_space<vmem>>
          %dma_wait3A_265 = tpu.memref_squeeze %dma_wait3A_264 : memref<1x32x768xf32, #tpu.memory_space<vmem>> -> memref<32x768xf32, #tpu.memory_space<vmem>>
          %dma_wait3A_266 = arith.constant 0 : i32
          %dma_wait3A_267 = tpu.memref_slice %arg4[%mul3A_2, %dma_wait3A_266] : memref<65536x768xf32, #tpu.memory_space<hbm>> -> memref<32x768xf32, #tpu.memory_space<hbm>>
          %dma_wait3A_268 = arith.constant 0 : i32
          %dma_wait3A_269 = tpu.memref_slice %arg4[%mul3A_2, %dma_wait3A_268] : memref<65536x768xf32, #tpu.memory_space<hbm>> -> memref<32x768xf32, #tpu.memory_space<hbm>>
          %dma_wait3A_270 = arith.constant 0 : i32
          %dma_wait3A_271 = arith.constant 0 : i32
          %dma_wait3A_272 = tpu.memref_slice %arg6[%dma_wait3A_261, %dma_wait3A_270, %dma_wait3A_271] : memref<4x32x768xf32, #tpu.memory_space<vmem>> -> memref<1x32x768xf32, #tpu.memory_space<vmem>>
          %dma_wait3A_273 = tpu.memref_squeeze %dma_wait3A_272 : memref<1x32x768xf32, #tpu.memory_space<vmem>> -> memref<32x768xf32, #tpu.memory_space<vmem>>
          tpu.wait_dma2 semaphore(%arg14 : memref<!tpu.dma_semaphore, #tpu.memory_space<semaphore_mem>>) src(%dma_wait3A_273 : memref<32x768xf32, #tpu.memory_space<vmem>>) dst(%dma_wait3A_269 : memref<32x768xf32, #tpu.memory_space<hbm>>)
        } else {
        }
        %mul3A_245 = arith.constant 32 : i32
        %mul3A_246 = arith.muli %add3A_129, %mul3A_245 : i32
        %add3A_247 = arith.addi %mul3A_2, %mul3A_246 : i32
        %run_scoped3A_248 = arith.constant 3 : i32
        "tpu.region"() ({
          %run_scoped3A_261 = tpu.sem_alloc : memref<!tpu.dma_semaphore, #tpu.memory_space<semaphore_mem>>
          %dma_start3A_262 = arith.constant 0 : i32
          %dma_start3A_263 = tpu.memref_slice %arg5[%run_scoped3A_248, %dma_start3A_262] : memref<4x32xi32, #tpu.memory_space<vmem>> -> memref<1x32xi32, #tpu.memory_space<vmem>>
          %dma_start3A_264 = tpu.memref_squeeze %dma_start3A_263 : memref<1x32xi32, #tpu.memory_space<vmem>> -> memref<32xi32, #tpu.memory_space<vmem>>
          %dma_start3A_265 = tpu.memref_slice %arg2[%add3A_247] : memref<65536xi32, #tpu.memory_space<hbm>> -> memref<32xi32, #tpu.memory_space<hbm>>
          %dma_start3A_266 = arith.constant 0 : i32
          %dma_start3A_267 = tpu.memref_slice %arg5[%run_scoped3A_248, %dma_start3A_266] : memref<4x32xi32, #tpu.memory_space<vmem>> -> memref<1x32xi32, #tpu.memory_space<vmem>>
          %dma_start3A_268 = tpu.memref_squeeze %dma_start3A_267 : memref<1x32xi32, #tpu.memory_space<vmem>> -> memref<32xi32, #tpu.memory_space<vmem>>
          %dma_start3A_269 = tpu.memref_slice %arg2[%add3A_247] : memref<65536xi32, #tpu.memory_space<hbm>> -> memref<32xi32, #tpu.memory_space<hbm>>
          tpu.enqueue_dma source(%dma_start3A_269 : memref<32xi32, #tpu.memory_space<hbm>>) target(%dma_start3A_268 : memref<32xi32, #tpu.memory_space<vmem>>) target_semaphore(%run_scoped3A_261 : memref<!tpu.dma_semaphore, #tpu.memory_space<semaphore_mem>>)
          %dma_wait3A_270 = arith.constant 0 : i32
          %dma_wait3A_271 = tpu.memref_slice %arg5[%run_scoped3A_248, %dma_wait3A_270] : memref<4x32xi32, #tpu.memory_space<vmem>> -> memref<1x32xi32, #tpu.memory_space<vmem>>
          %dma_wait3A_272 = tpu.memref_squeeze %dma_wait3A_271 : memref<1x32xi32, #tpu.memory_space<vmem>> -> memref<32xi32, #tpu.memory_space<vmem>>
          %dma_wait3A_273 = tpu.memref_slice %arg2[%add3A_247] : memref<65536xi32, #tpu.memory_space<hbm>> -> memref<32xi32, #tpu.memory_space<hbm>>
          %dma_wait3A_274 = arith.constant 0 : i32
          %dma_wait3A_275 = tpu.memref_slice %arg5[%run_scoped3A_248, %dma_wait3A_274] : memref<4x32xi32, #tpu.memory_space<vmem>> -> memref<1x32xi32, #tpu.memory_space<vmem>>
          %dma_wait3A_276 = tpu.memref_squeeze %dma_wait3A_275 : memref<1x32xi32, #tpu.memory_space<vmem>> -> memref<32xi32, #tpu.memory_space<vmem>>
          %dma_wait3A_277 = tpu.memref_slice %arg2[%add3A_247] : memref<65536xi32, #tpu.memory_space<hbm>> -> memref<32xi32, #tpu.memory_space<hbm>>
          tpu.wait_dma2 semaphore(%run_scoped3A_261 : memref<!tpu.dma_semaphore, #tpu.memory_space<semaphore_mem>>) src(%dma_wait3A_277 : memref<32xi32, #tpu.memory_space<hbm>>) dst(%dma_wait3A_276 : memref<32xi32, #tpu.memory_space<vmem>>)
          tpu.yield
        }) : () -> ()
        %dma_start3A_249 = arith.constant 3 : i32
        %dma_start3A_250 = arith.constant 3 : i32
        %dma_start3A_251 = arith.constant 0 : i32
        %dma_start3A_252 = arith.constant 0 : i32
        %dma_start3A_253 = tpu.memref_slice %arg6[%dma_start3A_250, %dma_start3A_251, %dma_start3A_252] : memref<4x32x768xf32, #tpu.memory_space<vmem>> -> memref<1x32x768xf32, #tpu.memory_space<vmem>>
        %dma_start3A_254 = tpu.memref_squeeze %dma_start3A_253 : memref<1x32x768xf32, #tpu.memory_space<vmem>> -> memref<32x768xf32, #tpu.memory_space<vmem>>
        %dma_start3A_255 = arith.constant 0 : i32
        %dma_start3A_256 = tpu.memref_slice %arg5[%dma_start3A_249, %dma_start3A_255] : memref<4x32xi32, #tpu.memory_space<vmem>> -> memref<1x32xi32, #tpu.memory_space<vmem>>
        %dma_start3A_257 = tpu.memref_squeeze %dma_start3A_256 : memref<1x32xi32, #tpu.memory_space<vmem>> -> memref<32xi32, #tpu.memory_space<vmem>>
        %dma_start3A_258 = arith.constant 0 : i32
        %dma_start3A_259 = arith.constant 0 : i32
        %dma_start3A_260 = tpu.memref_slice %arg3[%dma_start3A_258, %dma_start3A_259] : memref<30522x768xf32, #tpu.memory_space<hbm>> -> memref<30522x768xf32, #tpu.memory_space<hbm>>
        tpu.enqueue_indirect_dma source(%dma_start3A_260 : memref<30522x768xf32, #tpu.memory_space<hbm>>) target(%dma_start3A_254 : memref<32x768xf32, #tpu.memory_space<vmem>>) offsets(%dma_start3A_257 : memref<32xi32, #tpu.memory_space<vmem>>) semaphore(%arg10 : memref<!tpu.dma_semaphore, #tpu.memory_space<semaphore_mem>>)
      } else {
      }
      %dma_wait3A_135 = arith.constant 1 : i32
      %dma_wait3A_136 = arith.constant 1 : i32
      %dma_wait3A_137 = arith.constant 0 : i32
      %dma_wait3A_138 = arith.constant 0 : i32
      %dma_wait3A_139 = tpu.memref_slice %arg6[%dma_wait3A_136, %dma_wait3A_137, %dma_wait3A_138] : memref<4x32x768xf32, #tpu.memory_space<vmem>> -> memref<1x32x768xf32, #tpu.memory_space<vmem>>
      %dma_wait3A_140 = tpu.memref_squeeze %dma_wait3A_139 : memref<1x32x768xf32, #tpu.memory_space<vmem>> -> memref<32x768xf32, #tpu.memory_space<vmem>>
      %dma_wait3A_141 = arith.constant 0 : i32
      %dma_wait3A_142 = tpu.memref_slice %arg5[%dma_wait3A_135, %dma_wait3A_141] : memref<4x32xi32, #tpu.memory_space<vmem>> -> memref<1x32xi32, #tpu.memory_space<vmem>>
      %dma_wait3A_143 = tpu.memref_squeeze %dma_wait3A_142 : memref<1x32xi32, #tpu.memory_space<vmem>> -> memref<32xi32, #tpu.memory_space<vmem>>
      %dma_wait3A_144 = arith.constant 0 : i32
      %dma_wait3A_145 = arith.constant 0 : i32
      %dma_wait3A_146 = tpu.memref_slice %arg3[%dma_wait3A_144, %dma_wait3A_145] : memref<30522x768xf32, #tpu.memory_space<hbm>> -> memref<30522x768xf32, #tpu.memory_space<hbm>>
      tpu.wait_indirect_dma semaphore(%arg8 : memref<!tpu.dma_semaphore, #tpu.memory_space<semaphore_mem>>) src(%dma_wait3A_146 : memref<30522x768xf32, #tpu.memory_space<hbm>>) dst(%dma_wait3A_140 : memref<32x768xf32, #tpu.memory_space<vmem>>)
      %mul3A_147 = arith.constant 32 : i32
      %mul3A_148 = arith.muli %add3A_127, %mul3A_147 : i32
      %add3A_149 = arith.addi %mul3A_2, %mul3A_148 : i32
      %dma_start3A_150 = arith.constant 1 : i32
      %dma_start3A_151 = arith.constant 0 : i32
      %dma_start3A_152 = arith.constant 0 : i32
      %dma_start3A_153 = tpu.memref_slice %arg6[%dma_start3A_150, %dma_start3A_151, %dma_start3A_152] : memref<4x32x768xf32, #tpu.memory_space<vmem>> -> memref<1x32x768xf32, #tpu.memory_space<vmem>>
      %dma_start3A_154 = tpu.memref_squeeze %dma_start3A_153 : memref<1x32x768xf32, #tpu.memory_space<vmem>> -> memref<32x768xf32, #tpu.memory_space<vmem>>
      %dma_start3A_155 = arith.constant 0 : i32
      %dma_start3A_156 = tpu.memref_slice %arg4[%add3A_149, %dma_start3A_155] : memref<65536x768xf32, #tpu.memory_space<hbm>> -> memref<32x768xf32, #tpu.memory_space<hbm>>
      %dma_start3A_157 = arith.constant 0 : i32
      %dma_start3A_158 = tpu.memref_slice %arg4[%add3A_149, %dma_start3A_157] : memref<65536x768xf32, #tpu.memory_space<hbm>> -> memref<32x768xf32, #tpu.memory_space<hbm>>
      %dma_start3A_159 = arith.constant 0 : i32
      %dma_start3A_160 = arith.constant 0 : i32
      %dma_start3A_161 = tpu.memref_slice %arg6[%dma_start3A_150, %dma_start3A_159, %dma_start3A_160] : memref<4x32x768xf32, #tpu.memory_space<vmem>> -> memref<1x32x768xf32, #tpu.memory_space<vmem>>
      %dma_start3A_162 = tpu.memref_squeeze %dma_start3A_161 : memref<1x32x768xf32, #tpu.memory_space<vmem>> -> memref<32x768xf32, #tpu.memory_space<vmem>>
      tpu.enqueue_dma source(%dma_start3A_162 : memref<32x768xf32, #tpu.memory_space<vmem>>) target(%dma_start3A_158 : memref<32x768xf32, #tpu.memory_space<hbm>>) target_semaphore(%arg12 : memref<!tpu.dma_semaphore, #tpu.memory_space<semaphore_mem>>)
      %mul3A_163 = arith.constant 4 : i32
      %mul3A_164 = arith.muli %mul3A_163, %scan3A_87 : i32
      %add3A_165 = arith.constant 2 : i32
      %add3A_166 = arith.addi %mul3A_164, %add3A_165 : i32
      %add3A_167 = arith.constant 2 : i32
      %add3A_168 = arith.addi %add3A_166, %add3A_167 : i32
      %lt3A_169 = arith.constant 64 : i32
      %lt3A_170 = arith.cmpi slt, %add3A_168, %lt3A_169 : i32
      %convert_element_type3A_171 = arith.extui %lt3A_170 : i1 to i32
      %cond3A_172 = arith.constant 0 : i32
      %cond3A_173 = arith.cmpi ne, %convert_element_type3A_171, %cond3A_172 : i32
      scf.if %cond3A_173 {
        %ge3A = arith.constant 4 : i32
        %ge3A_241 = arith.cmpi sge, %add3A_168, %ge3A : i32
        %convert_element_type3A_242 = arith.extui %ge3A_241 : i1 to i32
        %cond3A_243 = arith.constant 0 : i32
        %cond3A_244 = arith.cmpi ne, %convert_element_type3A_242, %cond3A_243 : i32
        scf.if %cond3A_244 {
          %dma_wait3A_261 = arith.constant 0 : i32
          %dma_wait3A_262 = arith.constant 0 : i32
          %dma_wait3A_263 = arith.constant 0 : i32
          %dma_wait3A_264 = tpu.memref_slice %arg6[%dma_wait3A_261, %dma_wait3A_262, %dma_wait3A_263] : memref<4x32x768xf32, #tpu.memory_space<vmem>> -> memref<1x32x768xf32, #tpu.memory_space<vmem>>
          %dma_wait3A_265 = tpu.memref_squeeze %dma_wait3A_264 : memref<1x32x768xf32, #tpu.memory_space<vmem>> -> memref<32x768xf32, #tpu.memory_space<vmem>>
          %dma_wait3A_266 = arith.constant 0 : i32
          %dma_wait3A_267 = tpu.memref_slice %arg4[%mul3A_2, %dma_wait3A_266] : memref<65536x768xf32, #tpu.memory_space<hbm>> -> memref<32x768xf32, #tpu.memory_space<hbm>>
          %dma_wait3A_268 = arith.constant 0 : i32
          %dma_wait3A_269 = tpu.memref_slice %arg4[%mul3A_2, %dma_wait3A_268] : memref<65536x768xf32, #tpu.memory_space<hbm>> -> memref<32x768xf32, #tpu.memory_space<hbm>>
          %dma_wait3A_270 = arith.constant 0 : i32
          %dma_wait3A_271 = arith.constant 0 : i32
          %dma_wait3A_272 = tpu.memref_slice %arg6[%dma_wait3A_261, %dma_wait3A_270, %dma_wait3A_271] : memref<4x32x768xf32, #tpu.memory_space<vmem>> -> memref<1x32x768xf32, #tpu.memory_space<vmem>>
          %dma_wait3A_273 = tpu.memref_squeeze %dma_wait3A_272 : memref<1x32x768xf32, #tpu.memory_space<vmem>> -> memref<32x768xf32, #tpu.memory_space<vmem>>
          tpu.wait_dma2 semaphore(%arg11 : memref<!tpu.dma_semaphore, #tpu.memory_space<semaphore_mem>>) src(%dma_wait3A_273 : memref<32x768xf32, #tpu.memory_space<vmem>>) dst(%dma_wait3A_269 : memref<32x768xf32, #tpu.memory_space<hbm>>)
        } else {
        }
        %mul3A_245 = arith.constant 32 : i32
        %mul3A_246 = arith.muli %add3A_168, %mul3A_245 : i32
        %add3A_247 = arith.addi %mul3A_2, %mul3A_246 : i32
        %run_scoped3A_248 = arith.constant 0 : i32
        "tpu.region"() ({
          %run_scoped3A_261 = tpu.sem_alloc : memref<!tpu.dma_semaphore, #tpu.memory_space<semaphore_mem>>
          %dma_start3A_262 = arith.constant 0 : i32
          %dma_start3A_263 = tpu.memref_slice %arg5[%run_scoped3A_248, %dma_start3A_262] : memref<4x32xi32, #tpu.memory_space<vmem>> -> memref<1x32xi32, #tpu.memory_space<vmem>>
          %dma_start3A_264 = tpu.memref_squeeze %dma_start3A_263 : memref<1x32xi32, #tpu.memory_space<vmem>> -> memref<32xi32, #tpu.memory_space<vmem>>
          %dma_start3A_265 = tpu.memref_slice %arg2[%add3A_247] : memref<65536xi32, #tpu.memory_space<hbm>> -> memref<32xi32, #tpu.memory_space<hbm>>
          %dma_start3A_266 = arith.constant 0 : i32
          %dma_start3A_267 = tpu.memref_slice %arg5[%run_scoped3A_248, %dma_start3A_266] : memref<4x32xi32, #tpu.memory_space<vmem>> -> memref<1x32xi32, #tpu.memory_space<vmem>>
          %dma_start3A_268 = tpu.memref_squeeze %dma_start3A_267 : memref<1x32xi32, #tpu.memory_space<vmem>> -> memref<32xi32, #tpu.memory_space<vmem>>
          %dma_start3A_269 = tpu.memref_slice %arg2[%add3A_247] : memref<65536xi32, #tpu.memory_space<hbm>> -> memref<32xi32, #tpu.memory_space<hbm>>
          tpu.enqueue_dma source(%dma_start3A_269 : memref<32xi32, #tpu.memory_space<hbm>>) target(%dma_start3A_268 : memref<32xi32, #tpu.memory_space<vmem>>) target_semaphore(%run_scoped3A_261 : memref<!tpu.dma_semaphore, #tpu.memory_space<semaphore_mem>>)
          %dma_wait3A_270 = arith.constant 0 : i32
          %dma_wait3A_271 = tpu.memref_slice %arg5[%run_scoped3A_248, %dma_wait3A_270] : memref<4x32xi32, #tpu.memory_space<vmem>> -> memref<1x32xi32, #tpu.memory_space<vmem>>
          %dma_wait3A_272 = tpu.memref_squeeze %dma_wait3A_271 : memref<1x32xi32, #tpu.memory_space<vmem>> -> memref<32xi32, #tpu.memory_space<vmem>>
          %dma_wait3A_273 = tpu.memref_slice %arg2[%add3A_247] : memref<65536xi32, #tpu.memory_space<hbm>> -> memref<32xi32, #tpu.memory_space<hbm>>
          %dma_wait3A_274 = arith.constant 0 : i32
          %dma_wait3A_275 = tpu.memref_slice %arg5[%run_scoped3A_248, %dma_wait3A_274] : memref<4x32xi32, #tpu.memory_space<vmem>> -> memref<1x32xi32, #tpu.memory_space<vmem>>
          %dma_wait3A_276 = tpu.memref_squeeze %dma_wait3A_275 : memref<1x32xi32, #tpu.memory_space<vmem>> -> memref<32xi32, #tpu.memory_space<vmem>>
          %dma_wait3A_277 = tpu.memref_slice %arg2[%add3A_247] : memref<65536xi32, #tpu.memory_space<hbm>> -> memref<32xi32, #tpu.memory_space<hbm>>
          tpu.wait_dma2 semaphore(%run_scoped3A_261 : memref<!tpu.dma_semaphore, #tpu.memory_space<semaphore_mem>>) src(%dma_wait3A_277 : memref<32xi32, #tpu.memory_space<hbm>>) dst(%dma_wait3A_276 : memref<32xi32, #tpu.memory_space<vmem>>)
          tpu.yield
        }) : () -> ()
        %dma_start3A_249 = arith.constant 0 : i32
        %dma_start3A_250 = arith.constant 0 : i32
        %dma_start3A_251 = arith.constant 0 : i32
        %dma_start3A_252 = arith.constant 0 : i32
        %dma_start3A_253 = tpu.memref_slice %arg6[%dma_start3A_250, %dma_start3A_251, %dma_start3A_252] : memref<4x32x768xf32, #tpu.memory_space<vmem>> -> memref<1x32x768xf32, #tpu.memory_space<vmem>>
        %dma_start3A_254 = tpu.memref_squeeze %dma_start3A_253 : memref<1x32x768xf32, #tpu.memory_space<vmem>> -> memref<32x768xf32, #tpu.memory_space<vmem>>
        %dma_start3A_255 = arith.constant 0 : i32
        %dma_start3A_256 = tpu.memref_slice %arg5[%dma_start3A_249, %dma_start3A_255] : memref<4x32xi32, #tpu.memory_space<vmem>> -> memref<1x32xi32, #tpu.memory_space<vmem>>
        %dma_start3A_257 = tpu.memref_squeeze %dma_start3A_256 : memref<1x32xi32, #tpu.memory_space<vmem>> -> memref<32xi32, #tpu.memory_space<vmem>>
        %dma_start3A_258 = arith.constant 0 : i32
        %dma_start3A_259 = arith.constant 0 : i32
        %dma_start3A_260 = tpu.memref_slice %arg3[%dma_start3A_258, %dma_start3A_259] : memref<30522x768xf32, #tpu.memory_space<hbm>> -> memref<30522x768xf32, #tpu.memory_space<hbm>>
        tpu.enqueue_indirect_dma source(%dma_start3A_260 : memref<30522x768xf32, #tpu.memory_space<hbm>>) target(%dma_start3A_254 : memref<32x768xf32, #tpu.memory_space<vmem>>) offsets(%dma_start3A_257 : memref<32xi32, #tpu.memory_space<vmem>>) semaphore(%arg7 : memref<!tpu.dma_semaphore, #tpu.memory_space<semaphore_mem>>)
      } else {
      }
      %dma_wait3A_174 = arith.constant 2 : i32
      %dma_wait3A_175 = arith.constant 2 : i32
      %dma_wait3A_176 = arith.constant 0 : i32
      %dma_wait3A_177 = arith.constant 0 : i32
      %dma_wait3A_178 = tpu.memref_slice %arg6[%dma_wait3A_175, %dma_wait3A_176, %dma_wait3A_177] : memref<4x32x768xf32, #tpu.memory_space<vmem>> -> memref<1x32x768xf32, #tpu.memory_space<vmem>>
      %dma_wait3A_179 = tpu.memref_squeeze %dma_wait3A_178 : memref<1x32x768xf32, #tpu.memory_space<vmem>> -> memref<32x768xf32, #tpu.memory_space<vmem>>
      %dma_wait3A_180 = arith.constant 0 : i32
      %dma_wait3A_181 = tpu.memref_slice %arg5[%dma_wait3A_174, %dma_wait3A_180] : memref<4x32xi32, #tpu.memory_space<vmem>> -> memref<1x32xi32, #tpu.memory_space<vmem>>
      %dma_wait3A_182 = tpu.memref_squeeze %dma_wait3A_181 : memref<1x32xi32, #tpu.memory_space<vmem>> -> memref<32xi32, #tpu.memory_space<vmem>>
      %dma_wait3A_183 = arith.constant 0 : i32
      %dma_wait3A_184 = arith.constant 0 : i32
      %dma_wait3A_185 = tpu.memref_slice %arg3[%dma_wait3A_183, %dma_wait3A_184] : memref<30522x768xf32, #tpu.memory_space<hbm>> -> memref<30522x768xf32, #tpu.memory_space<hbm>>
      tpu.wait_indirect_dma semaphore(%arg9 : memref<!tpu.dma_semaphore, #tpu.memory_space<semaphore_mem>>) src(%dma_wait3A_185 : memref<30522x768xf32, #tpu.memory_space<hbm>>) dst(%dma_wait3A_179 : memref<32x768xf32, #tpu.memory_space<vmem>>)
      %mul3A_186 = arith.constant 32 : i32
      %mul3A_187 = arith.muli %add3A_166, %mul3A_186 : i32
      %add3A_188 = arith.addi %mul3A_2, %mul3A_187 : i32
      %dma_start3A_189 = arith.constant 2 : i32
      %dma_start3A_190 = arith.constant 0 : i32
      %dma_start3A_191 = arith.constant 0 : i32
      %dma_start3A_192 = tpu.memref_slice %arg6[%dma_start3A_189, %dma_start3A_190, %dma_start3A_191] : memref<4x32x768xf32, #tpu.memory_space<vmem>> -> memref<1x32x768xf32, #tpu.memory_space<vmem>>
      %dma_start3A_193 = tpu.memref_squeeze %dma_start3A_192 : memref<1x32x768xf32, #tpu.memory_space<vmem>> -> memref<32x768xf32, #tpu.memory_space<vmem>>
      %dma_start3A_194 = arith.constant 0 : i32
      %dma_start3A_195 = tpu.memref_slice %arg4[%add3A_188, %dma_start3A_194] : memref<65536x768xf32, #tpu.memory_space<hbm>> -> memref<32x768xf32, #tpu.memory_space<hbm>>
      %dma_start3A_196 = arith.constant 0 : i32
      %dma_start3A_197 = tpu.memref_slice %arg4[%add3A_188, %dma_start3A_196] : memref<65536x768xf32, #tpu.memory_space<hbm>> -> memref<32x768xf32, #tpu.memory_space<hbm>>
      %dma_start3A_198 = arith.constant 0 : i32
      %dma_start3A_199 = arith.constant 0 : i32
      %dma_start3A_200 = tpu.memref_slice %arg6[%dma_start3A_189, %dma_start3A_198, %dma_start3A_199] : memref<4x32x768xf32, #tpu.memory_space<vmem>> -> memref<1x32x768xf32, #tpu.memory_space<vmem>>
      %dma_start3A_201 = tpu.memref_squeeze %dma_start3A_200 : memref<1x32x768xf32, #tpu.memory_space<vmem>> -> memref<32x768xf32, #tpu.memory_space<vmem>>
      tpu.enqueue_dma source(%dma_start3A_201 : memref<32x768xf32, #tpu.memory_space<vmem>>) target(%dma_start3A_197 : memref<32x768xf32, #tpu.memory_space<hbm>>) target_semaphore(%arg13 : memref<!tpu.dma_semaphore, #tpu.memory_space<semaphore_mem>>)
      %mul3A_202 = arith.constant 4 : i32
      %mul3A_203 = arith.muli %mul3A_202, %scan3A_87 : i32
      %add3A_204 = arith.constant 3 : i32
      %add3A_205 = arith.addi %mul3A_203, %add3A_204 : i32
      %add3A_206 = arith.constant 2 : i32
      %add3A_207 = arith.addi %add3A_205, %add3A_206 : i32
      %lt3A_208 = arith.constant 64 : i32
      %lt3A_209 = arith.cmpi slt, %add3A_207, %lt3A_208 : i32
      %convert_element_type3A_210 = arith.extui %lt3A_209 : i1 to i32
      %cond3A_211 = arith.constant 0 : i32
      %cond3A_212 = arith.cmpi ne, %convert_element_type3A_210, %cond3A_211 : i32
      scf.if %cond3A_212 {
        %ge3A = arith.constant 4 : i32
        %ge3A_241 = arith.cmpi sge, %add3A_207, %ge3A : i32
        %convert_element_type3A_242 = arith.extui %ge3A_241 : i1 to i32
        %cond3A_243 = arith.constant 0 : i32
        %cond3A_244 = arith.cmpi ne, %convert_element_type3A_242, %cond3A_243 : i32
        scf.if %cond3A_244 {
          %dma_wait3A_261 = arith.constant 1 : i32
          %dma_wait3A_262 = arith.constant 0 : i32
          %dma_wait3A_263 = arith.constant 0 : i32
          %dma_wait3A_264 = tpu.memref_slice %arg6[%dma_wait3A_261, %dma_wait3A_262, %dma_wait3A_263] : memref<4x32x768xf32, #tpu.memory_space<vmem>> -> memref<1x32x768xf32, #tpu.memory_space<vmem>>
          %dma_wait3A_265 = tpu.memref_squeeze %dma_wait3A_264 : memref<1x32x768xf32, #tpu.memory_space<vmem>> -> memref<32x768xf32, #tpu.memory_space<vmem>>
          %dma_wait3A_266 = arith.constant 0 : i32
          %dma_wait3A_267 = tpu.memref_slice %arg4[%mul3A_2, %dma_wait3A_266] : memref<65536x768xf32, #tpu.memory_space<hbm>> -> memref<32x768xf32, #tpu.memory_space<hbm>>
          %dma_wait3A_268 = arith.constant 0 : i32
          %dma_wait3A_269 = tpu.memref_slice %arg4[%mul3A_2, %dma_wait3A_268] : memref<65536x768xf32, #tpu.memory_space<hbm>> -> memref<32x768xf32, #tpu.memory_space<hbm>>
          %dma_wait3A_270 = arith.constant 0 : i32
          %dma_wait3A_271 = arith.constant 0 : i32
          %dma_wait3A_272 = tpu.memref_slice %arg6[%dma_wait3A_261, %dma_wait3A_270, %dma_wait3A_271] : memref<4x32x768xf32, #tpu.memory_space<vmem>> -> memref<1x32x768xf32, #tpu.memory_space<vmem>>
          %dma_wait3A_273 = tpu.memref_squeeze %dma_wait3A_272 : memref<1x32x768xf32, #tpu.memory_space<vmem>> -> memref<32x768xf32, #tpu.memory_space<vmem>>
          tpu.wait_dma2 semaphore(%arg12 : memref<!tpu.dma_semaphore, #tpu.memory_space<semaphore_mem>>) src(%dma_wait3A_273 : memref<32x768xf32, #tpu.memory_space<vmem>>) dst(%dma_wait3A_269 : memref<32x768xf32, #tpu.memory_space<hbm>>)
        } else {
        }
        %mul3A_245 = arith.constant 32 : i32
        %mul3A_246 = arith.muli %add3A_207, %mul3A_245 : i32
        %add3A_247 = arith.addi %mul3A_2, %mul3A_246 : i32
        %run_scoped3A_248 = arith.constant 1 : i32
        "tpu.region"() ({
          %run_scoped3A_261 = tpu.sem_alloc : memref<!tpu.dma_semaphore, #tpu.memory_space<semaphore_mem>>
          %dma_start3A_262 = arith.constant 0 : i32
          %dma_start3A_263 = tpu.memref_slice %arg5[%run_scoped3A_248, %dma_start3A_262] : memref<4x32xi32, #tpu.memory_space<vmem>> -> memref<1x32xi32, #tpu.memory_space<vmem>>
          %dma_start3A_264 = tpu.memref_squeeze %dma_start3A_263 : memref<1x32xi32, #tpu.memory_space<vmem>> -> memref<32xi32, #tpu.memory_space<vmem>>
          %dma_start3A_265 = tpu.memref_slice %arg2[%add3A_247] : memref<65536xi32, #tpu.memory_space<hbm>> -> memref<32xi32, #tpu.memory_space<hbm>>
          %dma_start3A_266 = arith.constant 0 : i32
          %dma_start3A_267 = tpu.memref_slice %arg5[%run_scoped3A_248, %dma_start3A_266] : memref<4x32xi32, #tpu.memory_space<vmem>> -> memref<1x32xi32, #tpu.memory_space<vmem>>
          %dma_start3A_268 = tpu.memref_squeeze %dma_start3A_267 : memref<1x32xi32, #tpu.memory_space<vmem>> -> memref<32xi32, #tpu.memory_space<vmem>>
          %dma_start3A_269 = tpu.memref_slice %arg2[%add3A_247] : memref<65536xi32, #tpu.memory_space<hbm>> -> memref<32xi32, #tpu.memory_space<hbm>>
          tpu.enqueue_dma source(%dma_start3A_269 : memref<32xi32, #tpu.memory_space<hbm>>) target(%dma_start3A_268 : memref<32xi32, #tpu.memory_space<vmem>>) target_semaphore(%run_scoped3A_261 : memref<!tpu.dma_semaphore, #tpu.memory_space<semaphore_mem>>)
          %dma_wait3A_270 = arith.constant 0 : i32
          %dma_wait3A_271 = tpu.memref_slice %arg5[%run_scoped3A_248, %dma_wait3A_270] : memref<4x32xi32, #tpu.memory_space<vmem>> -> memref<1x32xi32, #tpu.memory_space<vmem>>
          %dma_wait3A_272 = tpu.memref_squeeze %dma_wait3A_271 : memref<1x32xi32, #tpu.memory_space<vmem>> -> memref<32xi32, #tpu.memory_space<vmem>>
          %dma_wait3A_273 = tpu.memref_slice %arg2[%add3A_247] : memref<65536xi32, #tpu.memory_space<hbm>> -> memref<32xi32, #tpu.memory_space<hbm>>
          %dma_wait3A_274 = arith.constant 0 : i32
          %dma_wait3A_275 = tpu.memref_slice %arg5[%run_scoped3A_248, %dma_wait3A_274] : memref<4x32xi32, #tpu.memory_space<vmem>> -> memref<1x32xi32, #tpu.memory_space<vmem>>
          %dma_wait3A_276 = tpu.memref_squeeze %dma_wait3A_275 : memref<1x32xi32, #tpu.memory_space<vmem>> -> memref<32xi32, #tpu.memory_space<vmem>>
          %dma_wait3A_277 = tpu.memref_slice %arg2[%add3A_247] : memref<65536xi32, #tpu.memory_space<hbm>> -> memref<32xi32, #tpu.memory_space<hbm>>
          tpu.wait_dma2 semaphore(%run_scoped3A_261 : memref<!tpu.dma_semaphore, #tpu.memory_space<semaphore_mem>>) src(%dma_wait3A_277 : memref<32xi32, #tpu.memory_space<hbm>>) dst(%dma_wait3A_276 : memref<32xi32, #tpu.memory_space<vmem>>)
          tpu.yield
        }) : () -> ()
        %dma_start3A_249 = arith.constant 1 : i32
        %dma_start3A_250 = arith.constant 1 : i32
        %dma_start3A_251 = arith.constant 0 : i32
        %dma_start3A_252 = arith.constant 0 : i32
        %dma_start3A_253 = tpu.memref_slice %arg6[%dma_start3A_250, %dma_start3A_251, %dma_start3A_252] : memref<4x32x768xf32, #tpu.memory_space<vmem>> -> memref<1x32x768xf32, #tpu.memory_space<vmem>>
        %dma_start3A_254 = tpu.memref_squeeze %dma_start3A_253 : memref<1x32x768xf32, #tpu.memory_space<vmem>> -> memref<32x768xf32, #tpu.memory_space<vmem>>
        %dma_start3A_255 = arith.constant 0 : i32
        %dma_start3A_256 = tpu.memref_slice %arg5[%dma_start3A_249, %dma_start3A_255] : memref<4x32xi32, #tpu.memory_space<vmem>> -> memref<1x32xi32, #tpu.memory_space<vmem>>
        %dma_start3A_257 = tpu.memref_squeeze %dma_start3A_256 : memref<1x32xi32, #tpu.memory_space<vmem>> -> memref<32xi32, #tpu.memory_space<vmem>>
        %dma_start3A_258 = arith.constant 0 : i32
        %dma_start3A_259 = arith.constant 0 : i32
        %dma_start3A_260 = tpu.memref_slice %arg3[%dma_start3A_258, %dma_start3A_259] : memref<30522x768xf32, #tpu.memory_space<hbm>> -> memref<30522x768xf32, #tpu.memory_space<hbm>>
        tpu.enqueue_indirect_dma source(%dma_start3A_260 : memref<30522x768xf32, #tpu.memory_space<hbm>>) target(%dma_start3A_254 : memref<32x768xf32, #tpu.memory_space<vmem>>) offsets(%dma_start3A_257 : memref<32xi32, #tpu.memory_space<vmem>>) semaphore(%arg8 : memref<!tpu.dma_semaphore, #tpu.memory_space<semaphore_mem>>)
      } else {
      }
      %dma_wait3A_213 = arith.constant 3 : i32
      %dma_wait3A_214 = arith.constant 3 : i32
      %dma_wait3A_215 = arith.constant 0 : i32
      %dma_wait3A_216 = arith.constant 0 : i32
      %dma_wait3A_217 = tpu.memref_slice %arg6[%dma_wait3A_214, %dma_wait3A_215, %dma_wait3A_216] : memref<4x32x768xf32, #tpu.memory_space<vmem>> -> memref<1x32x768xf32, #tpu.memory_space<vmem>>
      %dma_wait3A_218 = tpu.memref_squeeze %dma_wait3A_217 : memref<1x32x768xf32, #tpu.memory_space<vmem>> -> memref<32x768xf32, #tpu.memory_space<vmem>>
      %dma_wait3A_219 = arith.constant 0 : i32
      %dma_wait3A_220 = tpu.memref_slice %arg5[%dma_wait3A_213, %dma_wait3A_219] : memref<4x32xi32, #tpu.memory_space<vmem>> -> memref<1x32xi32, #tpu.memory_space<vmem>>
      %dma_wait3A_221 = tpu.memref_squeeze %dma_wait3A_220 : memref<1x32xi32, #tpu.memory_space<vmem>> -> memref<32xi32, #tpu.memory_space<vmem>>
      %dma_wait3A_222 = arith.constant 0 : i32
      %dma_wait3A_223 = arith.constant 0 : i32
      %dma_wait3A_224 = tpu.memref_slice %arg3[%dma_wait3A_222, %dma_wait3A_223] : memref<30522x768xf32, #tpu.memory_space<hbm>> -> memref<30522x768xf32, #tpu.memory_space<hbm>>
      tpu.wait_indirect_dma semaphore(%arg10 : memref<!tpu.dma_semaphore, #tpu.memory_space<semaphore_mem>>) src(%dma_wait3A_224 : memref<30522x768xf32, #tpu.memory_space<hbm>>) dst(%dma_wait3A_218 : memref<32x768xf32, #tpu.memory_space<vmem>>)
      %mul3A_225 = arith.constant 32 : i32
      %mul3A_226 = arith.muli %add3A_205, %mul3A_225 : i32
      %add3A_227 = arith.addi %mul3A_2, %mul3A_226 : i32
      %dma_start3A_228 = arith.constant 3 : i32
      %dma_start3A_229 = arith.constant 0 : i32
      %dma_start3A_230 = arith.constant 0 : i32
      %dma_start3A_231 = tpu.memref_slice %arg6[%dma_start3A_228, %dma_start3A_229, %dma_start3A_230] : memref<4x32x768xf32, #tpu.memory_space<vmem>> -> memref<1x32x768xf32, #tpu.memory_space<vmem>>
      %dma_start3A_232 = tpu.memref_squeeze %dma_start3A_231 : memref<1x32x768xf32, #tpu.memory_space<vmem>> -> memref<32x768xf32, #tpu.memory_space<vmem>>
      %dma_start3A_233 = arith.constant 0 : i32
      %dma_start3A_234 = tpu.memref_slice %arg4[%add3A_227, %dma_start3A_233] : memref<65536x768xf32, #tpu.memory_space<hbm>> -> memref<32x768xf32, #tpu.memory_space<hbm>>
      %dma_start3A_235 = arith.constant 0 : i32
      %dma_start3A_236 = tpu.memref_slice %arg4[%add3A_227, %dma_start3A_235] : memref<65536x768xf32, #tpu.memory_space<hbm>> -> memref<32x768xf32, #tpu.memory_space<hbm>>
      %dma_start3A_237 = arith.constant 0 : i32
      %dma_start3A_238 = arith.constant 0 : i32
      %dma_start3A_239 = tpu.memref_slice %arg6[%dma_start3A_228, %dma_start3A_237, %dma_start3A_238] : memref<4x32x768xf32, #tpu.memory_space<vmem>> -> memref<1x32x768xf32, #tpu.memory_space<vmem>>
      %dma_start3A_240 = tpu.memref_squeeze %dma_start3A_239 : memref<1x32x768xf32, #tpu.memory_space<vmem>> -> memref<32x768xf32, #tpu.memory_space<vmem>>
      tpu.enqueue_dma source(%dma_start3A_240 : memref<32x768xf32, #tpu.memory_space<vmem>>) target(%dma_start3A_236 : memref<32x768xf32, #tpu.memory_space<hbm>>) target_semaphore(%arg14 : memref<!tpu.dma_semaphore, #tpu.memory_space<semaphore_mem>>)
    }
    %scan3A_35 = arith.constant 16 : i32
    %dma_wait3A = arith.constant 0 : i32
    %dma_wait3A_36 = arith.constant 0 : i32
    %dma_wait3A_37 = arith.constant 0 : i32
    %dma_wait3A_38 = tpu.memref_slice %arg6[%dma_wait3A, %dma_wait3A_36, %dma_wait3A_37] : memref<4x32x768xf32, #tpu.memory_space<vmem>> -> memref<1x32x768xf32, #tpu.memory_space<vmem>>
    %dma_wait3A_39 = tpu.memref_squeeze %dma_wait3A_38 : memref<1x32x768xf32, #tpu.memory_space<vmem>> -> memref<32x768xf32, #tpu.memory_space<vmem>>
    %dma_wait3A_40 = arith.constant 0 : i32
    %dma_wait3A_41 = tpu.memref_slice %arg4[%mul3A_2, %dma_wait3A_40] : memref<65536x768xf32, #tpu.memory_space<hbm>> -> memref<32x768xf32, #tpu.memory_space<hbm>>
    %dma_wait3A_42 = arith.constant 0 : i32
    %dma_wait3A_43 = tpu.memref_slice %arg4[%mul3A_2, %dma_wait3A_42] : memref<65536x768xf32, #tpu.memory_space<hbm>> -> memref<32x768xf32, #tpu.memory_space<hbm>>
    %dma_wait3A_44 = arith.constant 0 : i32
    %dma_wait3A_45 = arith.constant 0 : i32
    %dma_wait3A_46 = tpu.memref_slice %arg6[%dma_wait3A, %dma_wait3A_44, %dma_wait3A_45] : memref<4x32x768xf32, #tpu.memory_space<vmem>> -> memref<1x32x768xf32, #tpu.memory_space<vmem>>
    %dma_wait3A_47 = tpu.memref_squeeze %dma_wait3A_46 : memref<1x32x768xf32, #tpu.memory_space<vmem>> -> memref<32x768xf32, #tpu.memory_space<vmem>>
    tpu.wait_dma2 semaphore(%arg11 : memref<!tpu.dma_semaphore, #tpu.memory_space<semaphore_mem>>) src(%dma_wait3A_47 : memref<32x768xf32, #tpu.memory_space<vmem>>) dst(%dma_wait3A_43 : memref<32x768xf32, #tpu.memory_space<hbm>>)
    %dma_wait3A_48 = arith.constant 1 : i32
    %dma_wait3A_49 = arith.constant 0 : i32
    %dma_wait3A_50 = arith.constant 0 : i32
    %dma_wait3A_51 = tpu.memref_slice %arg6[%dma_wait3A_48, %dma_wait3A_49, %dma_wait3A_50] : memref<4x32x768xf32, #tpu.memory_space<vmem>> -> memref<1x32x768xf32, #tpu.memory_space<vmem>>
    %dma_wait3A_52 = tpu.memref_squeeze %dma_wait3A_51 : memref<1x32x768xf32, #tpu.memory_space<vmem>> -> memref<32x768xf32, #tpu.memory_space<vmem>>
    %dma_wait3A_53 = arith.constant 0 : i32
    %dma_wait3A_54 = tpu.memref_slice %arg4[%mul3A_2, %dma_wait3A_53] : memref<65536x768xf32, #tpu.memory_space<hbm>> -> memref<32x768xf32, #tpu.memory_space<hbm>>
    %dma_wait3A_55 = arith.constant 0 : i32
    %dma_wait3A_56 = tpu.memref_slice %arg4[%mul3A_2, %dma_wait3A_55] : memref<65536x768xf32, #tpu.memory_space<hbm>> -> memref<32x768xf32, #tpu.memory_space<hbm>>
    %dma_wait3A_57 = arith.constant 0 : i32
    %dma_wait3A_58 = arith.constant 0 : i32
    %dma_wait3A_59 = tpu.memref_slice %arg6[%dma_wait3A_48, %dma_wait3A_57, %dma_wait3A_58] : memref<4x32x768xf32, #tpu.memory_space<vmem>> -> memref<1x32x768xf32, #tpu.memory_space<vmem>>
    %dma_wait3A_60 = tpu.memref_squeeze %dma_wait3A_59 : memref<1x32x768xf32, #tpu.memory_space<vmem>> -> memref<32x768xf32, #tpu.memory_space<vmem>>
    tpu.wait_dma2 semaphore(%arg12 : memref<!tpu.dma_semaphore, #tpu.memory_space<semaphore_mem>>) src(%dma_wait3A_60 : memref<32x768xf32, #tpu.memory_space<vmem>>) dst(%dma_wait3A_56 : memref<32x768xf32, #tpu.memory_space<hbm>>)
    %dma_wait3A_61 = arith.constant 2 : i32
    %dma_wait3A_62 = arith.constant 0 : i32
    %dma_wait3A_63 = arith.constant 0 : i32
    %dma_wait3A_64 = tpu.memref_slice %arg6[%dma_wait3A_61, %dma_wait3A_62, %dma_wait3A_63] : memref<4x32x768xf32, #tpu.memory_space<vmem>> -> memref<1x32x768xf32, #tpu.memory_space<vmem>>
    %dma_wait3A_65 = tpu.memref_squeeze %dma_wait3A_64 : memref<1x32x768xf32, #tpu.memory_space<vmem>> -> memref<32x768xf32, #tpu.memory_space<vmem>>
    %dma_wait3A_66 = arith.constant 0 : i32
    %dma_wait3A_67 = tpu.memref_slice %arg4[%mul3A_2, %dma_wait3A_66] : memref<65536x768xf32, #tpu.memory_space<hbm>> -> memref<32x768xf32, #tpu.memory_space<hbm>>
    %dma_wait3A_68 = arith.constant 0 : i32
    %dma_wait3A_69 = tpu.memref_slice %arg4[%mul3A_2, %dma_wait3A_68] : memref<65536x768xf32, #tpu.memory_space<hbm>> -> memref<32x768xf32, #tpu.memory_space<hbm>>
    %dma_wait3A_70 = arith.constant 0 : i32
    %dma_wait3A_71 = arith.constant 0 : i32
    %dma_wait3A_72 = tpu.memref_slice %arg6[%dma_wait3A_61, %dma_wait3A_70, %dma_wait3A_71] : memref<4x32x768xf32, #tpu.memory_space<vmem>> -> memref<1x32x768xf32, #tpu.memory_space<vmem>>
    %dma_wait3A_73 = tpu.memref_squeeze %dma_wait3A_72 : memref<1x32x768xf32, #tpu.memory_space<vmem>> -> memref<32x768xf32, #tpu.memory_space<vmem>>
    tpu.wait_dma2 semaphore(%arg13 : memref<!tpu.dma_semaphore, #tpu.memory_space<semaphore_mem>>) src(%dma_wait3A_73 : memref<32x768xf32, #tpu.memory_space<vmem>>) dst(%dma_wait3A_69 : memref<32x768xf32, #tpu.memory_space<hbm>>)
    %dma_wait3A_74 = arith.constant 3 : i32
    %dma_wait3A_75 = arith.constant 0 : i32
    %dma_wait3A_76 = arith.constant 0 : i32
    %dma_wait3A_77 = tpu.memref_slice %arg6[%dma_wait3A_74, %dma_wait3A_75, %dma_wait3A_76] : memref<4x32x768xf32, #tpu.memory_space<vmem>> -> memref<1x32x768xf32, #tpu.memory_space<vmem>>
    %dma_wait3A_78 = tpu.memref_squeeze %dma_wait3A_77 : memref<1x32x768xf32, #tpu.memory_space<vmem>> -> memref<32x768xf32, #tpu.memory_space<vmem>>
    %dma_wait3A_79 = arith.constant 0 : i32
    %dma_wait3A_80 = tpu.memref_slice %arg4[%mul3A_2, %dma_wait3A_79] : memref<65536x768xf32, #tpu.memory_space<hbm>> -> memref<32x768xf32, #tpu.memory_space<hbm>>
    %dma_wait3A_81 = arith.constant 0 : i32
    %dma_wait3A_82 = tpu.memref_slice %arg4[%mul3A_2, %dma_wait3A_81] : memref<65536x768xf32, #tpu.memory_space<hbm>> -> memref<32x768xf32, #tpu.memory_space<hbm>>
    %dma_wait3A_83 = arith.constant 0 : i32
    %dma_wait3A_84 = arith.constant 0 : i32
    %dma_wait3A_85 = tpu.memref_slice %arg6[%dma_wait3A_74, %dma_wait3A_83, %dma_wait3A_84] : memref<4x32x768xf32, #tpu.memory_space<vmem>> -> memref<1x32x768xf32, #tpu.memory_space<vmem>>
    %dma_wait3A_86 = tpu.memref_squeeze %dma_wait3A_85 : memref<1x32x768xf32, #tpu.memory_space<vmem>> -> memref<32x768xf32, #tpu.memory_space<vmem>>
    tpu.wait_dma2 semaphore(%arg14 : memref<!tpu.dma_semaphore, #tpu.memory_space<semaphore_mem>>) src(%dma_wait3A_86 : memref<32x768xf32, #tpu.memory_space<vmem>>) dst(%dma_wait3A_82 : memref<32x768xf32, #tpu.memory_space<hbm>>)
    return
  }
}

module attributes {stable_mosaic.version = 14 : i64} {
  func.func @bert_embed_ln_tc(%arg0: i32, %arg1: memref<512x768xf32, #tpu.memory_space<vmem>>, %arg2: memref<512x768xf32, #tpu.memory_space<vmem>>, %arg3: memref<1x768xf32, #tpu.memory_space<vmem>>, %arg4: memref<1x768xf32, #tpu.memory_space<vmem>>, %arg5: memref<1x768xf32, #tpu.memory_space<vmem>>, %arg6: memref<512x768xf32, #tpu.memory_space<vmem>>) attributes {dimension_semantics = [#tpu.dimension_semantics<arbitrary>], iteration_bounds = array<i64: 128>, scalar_prefetch = 0 : i64, scratch_operands = 0 : i64, tpu.core_type = #tpu.core_type<tc>, window_params = [{transform_indices = @transform_0, window_bounds = array<i64: 512, 768>}, {pipeline_mode = #tpu.pipeline_mode<synchronous>, transform_indices = @transform_1, window_bounds = array<i64: 512, 768>}, {pipeline_mode = #tpu.pipeline_mode<synchronous>, transform_indices = @transform_2, window_bounds = array<i64: 1, 768>}, {pipeline_mode = #tpu.pipeline_mode<synchronous>, transform_indices = @transform_3, window_bounds = array<i64: 1, 768>}, {pipeline_mode = #tpu.pipeline_mode<synchronous>, transform_indices = @transform_4, window_bounds = array<i64: 1, 768>}, {transform_indices = @transform_5, window_bounds = array<i64: 512, 768>}]} {
    %get3A = arith.constant 0 : index
    %get3A_0 = arith.constant 0 : index
    %get3A_1 = vector.load %arg1[%get3A, %get3A_0] : memref<512x768xf32, #tpu.memory_space<vmem>>, vector<512x768xf32>
    %get3A_2 = arith.constant 0 : index
    %get3A_3 = arith.constant 0 : index
    %get3A_4 = vector.load %arg2[%get3A_2, %get3A_3] : memref<512x768xf32, #tpu.memory_space<vmem>>, vector<512x768xf32>
    %add3A = arith.addf %get3A_1, %get3A_4 : vector<512x768xf32>
    %get3A_5 = arith.constant 0 : index
    %get3A_6 = arith.constant 0 : index
    %get3A_7 = vector.load %arg3[%get3A_5, %get3A_6] : memref<1x768xf32, #tpu.memory_space<vmem>>, vector<1x768xf32>
    %add3A_8 = vector.broadcast %get3A_7 : vector<1x768xf32> to vector<512x768xf32>
    %add3A_9 = arith.addf %add3A, %add3A_8 : vector<512x768xf32>
    %reduce_sum3A = arith.constant dense<0.000000e+00> : vector<512xf32>
    %reduce_sum3A_10 = vector.multi_reduction <add>, %add3A_9, %reduce_sum3A [1] : vector<512x768xf32> to vector<512xf32>
    %broadcast_in_dim3A = vector.shape_cast %reduce_sum3A_10 : vector<512xf32> to vector<512x1xf32>
    %div3A = arith.constant 7.680000e+02 : f32
    %div3A_11 = vector.broadcast %div3A : f32 to vector<512x1xf32>
    %div3A_12 = arith.divf %broadcast_in_dim3A, %div3A_11 : vector<512x1xf32>
    %sub3A = vector.broadcast %div3A_12 : vector<512x1xf32> to vector<512x768xf32>
    %sub3A_13 = arith.subf %add3A_9, %sub3A : vector<512x768xf32>
    %mul3A = arith.mulf %sub3A_13, %sub3A_13 : vector<512x768xf32>
    %reduce_sum3A_14 = arith.constant dense<0.000000e+00> : vector<512xf32>
    %reduce_sum3A_15 = vector.multi_reduction <add>, %mul3A, %reduce_sum3A_14 [1] : vector<512x768xf32> to vector<512xf32>
    %broadcast_in_dim3A_16 = vector.shape_cast %reduce_sum3A_15 : vector<512xf32> to vector<512x1xf32>
    %div3A_17 = arith.constant 7.680000e+02 : f32
    %div3A_18 = vector.broadcast %div3A_17 : f32 to vector<512x1xf32>
    %div3A_19 = arith.divf %broadcast_in_dim3A_16, %div3A_18 : vector<512x1xf32>
    %add3A_20 = arith.constant 9.99999974E-6 : f32
    %add3A_21 = vector.broadcast %add3A_20 : f32 to vector<512x1xf32>
    %add3A_22 = arith.addf %div3A_19, %add3A_21 : vector<512x1xf32>
    %rsqrt3A = math.rsqrt %add3A_22 : vector<512x1xf32>
    %mul3A_23 = vector.broadcast %rsqrt3A : vector<512x1xf32> to vector<512x768xf32>
    %mul3A_24 = arith.mulf %sub3A_13, %mul3A_23 : vector<512x768xf32>
    %get3A_25 = arith.constant 0 : index
    %get3A_26 = arith.constant 0 : index
    %get3A_27 = vector.load %arg4[%get3A_25, %get3A_26] : memref<1x768xf32, #tpu.memory_space<vmem>>, vector<1x768xf32>
    %mul3A_28 = vector.broadcast %get3A_27 : vector<1x768xf32> to vector<512x768xf32>
    %mul3A_29 = arith.mulf %mul3A_24, %mul3A_28 : vector<512x768xf32>
    %get3A_30 = arith.constant 0 : index
    %get3A_31 = arith.constant 0 : index
    %get3A_32 = vector.load %arg5[%get3A_30, %get3A_31] : memref<1x768xf32, #tpu.memory_space<vmem>>, vector<1x768xf32>
    %add3A_33 = vector.broadcast %get3A_32 : vector<1x768xf32> to vector<512x768xf32>
    %add3A_34 = arith.addf %mul3A_29, %add3A_33 : vector<512x768xf32>
    %swap3A = arith.constant 0 : index
    %swap3A_35 = arith.constant 0 : index
    %swap3A_36 = vector.load %arg6[%swap3A, %swap3A_35] : memref<512x768xf32, #tpu.memory_space<vmem>>, vector<512x768xf32>
    tpu.vector_store %arg6[%swap3A, %swap3A_35], %add3A_34 {strides = array<i32>} : memref<512x768xf32, #tpu.memory_space<vmem>>, vector<512x768xf32>,
    return
  }
  func.func @transform_0(%arg0: i32) -> (i32, i32) {
    %c0_i32 = arith.constant 0 : i32
    %c0_i32_0 = arith.constant 0 : i32
    return %arg0, %c0_i32 : i32, i32
  }
  func.func @transform_1(%arg0: i32) -> (i32, i32) {
    %c0_i32 = arith.constant 0 : i32
    %c0_i32_0 = arith.constant 0 : i32
    %c0_i32_1 = arith.constant 0 : i32
    return %c0_i32, %c0_i32_0 : i32, i32
  }
  func.func @transform_2(%arg0: i32) -> (i32, i32) {
    %c0_i32 = arith.constant 0 : i32
    %c0_i32_0 = arith.constant 0 : i32
    %c0_i32_1 = arith.constant 0 : i32
    return %c0_i32, %c0_i32_0 : i32, i32
  }
  func.func @transform_3(%arg0: i32) -> (i32, i32) {
    %c0_i32 = arith.constant 0 : i32
    %c0_i32_0 = arith.constant 0 : i32
    %c0_i32_1 = arith.constant 0 : i32
    return %c0_i32, %c0_i32_0 : i32, i32
  }
  func.func @transform_4(%arg0: i32) -> (i32, i32) {
    %c0_i32 = arith.constant 0 : i32
    %c0_i32_0 = arith.constant 0 : i32
    %c0_i32_1 = arith.constant 0 : i32
    return %c0_i32, %c0_i32_0 : i32, i32
  }
  func.func @transform_5(%arg0: i32) -> (i32, i32) {
    %c0_i32 = arith.constant 0 : i32
    %c0_i32_0 = arith.constant 0 : i32
    return %arg0, %c0_i32 : i32, i32
  }
}

</mosaic_0001>

<sc_bundles>
// kernel: bert_embed_gather_sc.3.cloned.1.call-start
scs
__scs_entry_jumppad:
0x0: {  	(pc) =	sbr.rel $0x88, $3  }
0x1: {  	(tag) =	ssettag $0x0;
	lr =	simm.s32 $0x1  }
0x2: {  	[smem:$0x3F9B] =	sst lr;
	_ =	strace $0xD0000000  }
0x3: {  	_ = 	snop  }
0x4: {  	_ = 	snop  }
0x5: {  	_ = 	snop  }
0x6: {  	_ = 	snop  }
0x7: {  	_ = 	snop  }
__scs_overlays_trampoline_lowered:
0x8: {  	[smem:$0x3FAA] =	sst s0  }
0x9: {  	[smem:$0x3FAB] =	sst s1  }
0xa: {  	[smem:$0x3FAC] =	sst s2  }
0xb: {  	[smem:$0x3FAD] =	sst s3  }
0xc: {  	[smem:$0x3FAE] =	sst s4  }
0xd: {  	[smem:$0x3FAF] =	sst s5  }
0xe: {  	[smem:$0x3FB0] =	sst s6  }
0xf: {  	[smem:$0x3FB1] =	sst s7  }
0x10: {  	[smem:$0x3FB2] =	sst s8  }
0x11: {  	[smem:$0x3FB3] =	sst s9;
	s0 =	simm.s32 @!p0 $0x0  }
0x12: {  	s1 =	sld [smem:$0x3F99];
	s0 =	simm.s32 @p0 $0x1  }
0x13: {  	[smem:$0x3FB4] =	sst s0;
	s0 =	simm.s32 @!p1 $0x0  }
0x14: {  	s2 =	sld [smem:$0x3F98];
	s0 =	simm.s32 @p1 $0x1  }
0x15: {  	[smem:$0x3FB5] =	sst s0;
	s0 =	simm.s32 @!p2 $0x0  }
0x16: {  	s3 =	sld [smem:$0x3FDB];
	s0 =	simm.s32 @p2 $0x1  }
0x17: {  	s4 =	simm.s32 $0x1BF5;
	[smem:$0x3FB7] =	sst s0  }
0x18: {  	s0 =	sld [smem:$0x3F9A];
	_ =	swait.ge [sflag:s4], $0x0  }
0x19: {  	s7 =	sld [smem:$0x3F9B]  }
0x1a: {  	s8 =	sadd.s32 $0xFFFFE003, lr  }
0x1b: {  	s9 =	sadd.s32 $0xFFFFFEF7, lr;
	s5 =	simm.s32 $0xFFFFFFFF;
	p2 =	slt.u32 s8, $0xFFFFF086  }
0x1c: {  	p1 =	slt.u32 s9, $0xF7A;
	s5 =	simm.s32 @!p2 $0x0  }
0x1d: {  	s5 =	simm.s32 @p1 $0x1;
	p0 =	seq.s32 s7, s2  }
0x1e: {  	s7 =	smul.u32 @!p0 $0xF7A, s2;
	p2 =	seq.s32 @!p0 s5, $0x0  }
0x1f: {  	s9 =	smul.u32 $0xF7A, s1;
	s8 =	simm.s32 @!p0 $0x1BF5;
	p2 =	por !p2, p0  }
0x20: {  	[sflag:s8] =	ssyncset.s32 @!p0 $0xFFFFF086;
	s6 =	sadd.s32 @!p0 s3, s7;
	s7 =	simm.s32 @!p0 $0x108  }
0x21: {  	s3 =	sadd.s32 s3, s9;
	s6 =	sadd.s32 @!p0 $0x88, s6;
	s7 =	simm.s32 @p2 $0x1082  }
0x22: {  	[simem:s7], [sflag:s8] =	dma.local @!p0 [hbm:s6], $0xF7A  }
0x23: {  	s9 =	sor.u32 $0xD0000000, s2;
	s6 =	simm.s32 $0x108;
	_ =	swait.ge @!p0 [sflag:s8], $0x0  }
0x24: {  	s3 =	sadd.s32 $0x88, s3;
	s6 =	simm.s32 @!p1 $0x1082;
	[sflag:s4] =	ssyncset.s32 $0xFFFFF086  }
0x25: {  	[simem:s6], [sflag:s4] =	dma.local [hbm:s3], $0xF7A  }
0x26: {  	[smem:$0x3F9B] =	sst s1;
	(tag) =	ssettag s2;
	_ =	strace s9  }
0x27: {  	s1 =	sld [smem:$0x3FAB]  }
0x28: {  	s2 =	sld [smem:$0x3FAC]  }
0x29: {  	s4 =	sld [smem:$0x3FAE]  }
0x2a: {  	p0 =	seq.s32 s5, $0x0;
	s5 =	sld [smem:$0x3FAF]  }
0x2b: {  	s6 =	sld [smem:$0x3FB0]  }
0x2c: {  	s7 =	sld [smem:$0x3FB1]  }
0x2d: {  	s3 =	simm.s32 $0x108;
	s8 =	sld [smem:$0x3FB2]  }
0x2e: {  	s3 =	simm.s32 @!p0 $0x1082;
	s9 =	sld [smem:$0x3FB3]  }
0x2f: {  	lr =	sadd.s32 s0, s3;
	s0 =	sld [smem:$0x3FAA]  }
0x30: {  	s3 =	sld [smem:$0x3FAD]  }
0x31: {  	[smem:$0x3FB6] =	sst s10  }
0x32: {  	s10 =	sld [smem:$0x3FB4];
	_ =	sdelay $0x3  }
0x33: {  	p0 =	seq.s32 s10, $0x1;
	s10 =	sld [smem:$0x3FB6];
	_ =	sdelay $0x3  }
0x34: {  	[smem:$0x3FB6] =	sst s10  }
0x35: {  	s10 =	sld [smem:$0x3FB5];
	_ =	sdelay $0x3  }
0x36: {  	p1 =	seq.s32 s10, $0x1;
	s10 =	sld [smem:$0x3FB6];
	_ =	sdelay $0x3  }
0x37: {  	[smem:$0x3FB6] =	sst s10  }
0x38: {  	s10 =	sld [smem:$0x3FB7]  }
0x39: {  	_ = 	snop;
	(pc) =	sbr.ind lr, $3  }
0x3a: {  	_ = 	snop  }
0x3b: {  	_ = 	snop  }
0x3c: {  	p2 =	seq.s32 s10, $0x1;
	s10 =	sld [smem:$0x3FB6]  }
0x3d: {  	_ =	shalt  }
0x3e: {  	_ =	shalt  }
0x3f: {  	_ =	shalt  }
0x40: {  	_ =	shalt  }
0x41: {  	_ =	shalt  }
0x42: {  	_ =	shalt  }
0x43: {  	_ =	shalt  }
0x44: {  	_ =	shalt  }
0x45: {  	_ =	shalt  }
0x46: {  	_ =	shalt  }
0x47: {  	_ =	shalt  }
0x48: {  	_ =	shalt  }
0x49: {  	_ =	shalt  }
0x4a: {  	_ =	shalt  }
0x4b: {  	_ =	shalt  }
0x4c: {  	_ =	shalt  }
0x4d: {  	_ =	shalt  }
0x4e: {  	_ =	shalt  }
0x4f: {  	_ =	shalt  }
0x50: {  	_ =	shalt  }
0x51: {  	_ =	shalt  }
0x52: {  	_ =	shalt  }
0x53: {  	_ =	shalt  }
0x54: {  	_ =	shalt  }
0x55: {  	_ =	shalt  }
0x56: {  	_ =	shalt  }
0x57: {  	_ =	shalt  }
0x58: {  	_ =	shalt  }
0x59: {  	_ =	shalt  }
0x5a: {  	_ =	shalt  }
0x5b: {  	_ =	shalt  }
0x5c: {  	_ =	shalt  }
0x5d: {  	_ =	shalt  }
0x5e: {  	_ =	shalt  }
0x5f: {  	_ =	shalt  }
0x60: {  	_ =	shalt  }
0x61: {  	_ =	shalt  }
0x62: {  	_ =	shalt  }
0x63: {  	_ =	shalt  }
0x64: {  	_ =	shalt  }
0x65: {  	_ =	shalt  }
0x66: {  	_ =	shalt  }
0x67: {  	_ =	shalt  }
0x68: {  	_ =	shalt  }
0x69: {  	_ =	shalt  }
0x6a: {  	_ =	shalt  }
0x6b: {  	_ =	shalt  }
0x6c: {  	_ =	shalt  }
0x6d: {  	_ =	shalt  }
0x6e: {  	_ =	shalt  }
0x6f: {  	_ =	shalt  }
0x70: {  	_ =	shalt  }
0x71: {  	_ =	shalt  }
0x72: {  	_ =	shalt  }
0x73: {  	_ =	shalt  }
0x74: {  	_ =	shalt  }
0x75: {  	_ =	shalt  }
0x76: {  	_ =	shalt  }
0x77: {  	_ =	shalt  }
0x78: {  	_ =	shalt  }
0x79: {  	_ =	shalt  }
0x7a: {  	_ =	shalt  }
0x7b: {  	_ =	shalt  }
0x7c: {  	_ =	shalt  }
0x7d: {  	_ =	shalt  }
0x7e: {  	_ =	shalt  }
0x7f: {  	_ =	shalt  }
0x80: {  	_ =	shalt  }
0x81: {  	_ =	shalt  }
0x82: {  	_ =	shalt  }
0x83: {  	_ =	shalt  }
0x84: {  	_ =	shalt  }
0x85: {  	_ =	shalt  }
0x86: {  	_ =	shalt  }
0x87: {  	_ =	shalt  }
.Lfunc_end0:
.L_simem_size_0:
called_computation_lowered:
.L_overlay_start_0:
0x88: {  	s2 =	sld [smem:$0x3FD9]  }
0x89: {  	s3 =	sld [smem:$0x3FFE];
	_ =	sdelay $0x1  }
0x8a: {  	s1 =	srdreg.scid  }
0x8b: {  	s0 =	sand.u32 $0x1, s1  }
0x8c: {  	s17 =	sshll.u32 s0, $0xA;
	s2 =	sadd.s32 s3, s2  }
0x8d: {  	s2 =	sadd.s32 s2, s17  }
0x8e: {  	[smem:$0x3FC2] =	sst s2  }
0x8f: {  	_ = 	snop  }
0x90: {  	s2 =	sld [smem:$0x3FC8]  }
0x91: {  	s18 =	sld [smem:$0x3FD0];
	(tm) =	ssettm $0x1  }
0x92: {  	s4 =	sld [smem:$0x3FFB];
	_ =	sdelay $0x3  }
0x93: {  	_ =	strace s4  }
0x94: {  	s4 =	sld [smem:$0x3FFC];
	_ =	sdelay $0x3  }
0x95: {  	_ =	strace s4  }
0x96: {  	s4 =	sld [smem:$0x3FFD];
	_ =	sdelay $0x3  }
0x97: {  	_ =	strace s4  }
0x98: {  	_ =	strace $0x8FFFFFFF  }
0x99: {  	s19 =	sld [smem:$0x3FDB];
	_ =	sdelay $0x1  }
0x9a: {  	s5 =	simm.s32 $_scs_section_size  }
0x9b: {  	s6 =	simm.s32 $_size__tile_overlayer_lowered;
	s7 =	simm.s32 $_tile_overlayer_lowered  }
0x9c: {  	s22 =	simm.s32 $0x1BFF;
	s21 =	sshll.u32 s7, $0x1;
	s4 =	sadd.s32 s5, s19  }
0x9d: {  	s8 =	simm.s32 $0x0;
	s20 =	sshll.u32 s6, $0x1;
	s6 =	sadd.s32 s21, s4  }
0x9e: {  	[timem:s8], [sflag:s22] =	dma.local [hbm:s6], s20  }
0x9f: {  	_ =	swait.ge [sflag:s22], s20  }
0xa0: {  	s5 =	ssub.s32 $0x0, s20;
	[sflag:s22] =	ssyncset.done $0x0  }
0xa1: {  	[sflag:s22] =	ssyncadd.s32 s5;
	_ =	sdelay $0x1  }
0xa2: {  	s23 =	simm.s32 $0x1B8B  }
0xa3: {  	_ =	swait.ge [sflag:s23], $0x1  }
0xa4: {  	[sflag:s23] =	ssyncset.done $0x0  }
0xa5: {  	s25 =	simm.s32 $0x1B8E;
	s24 =	sld [smem:$0x3FFE];
	[sflag:s23] =	ssyncadd.s32 $0xFFFFFFFF  }
0xa6: {  	s26 =	simm.s32 $execute0_lowered;
	[smem:$0x3FD2] =	sst s25  }
0xa7: {  	s6 =	sshll.u32 s26, $0x1;
	_ =	strace $0x80000046;
	[dreg:$0x1] =	wrdreg $0xFFFFFFFF  }
0xa8: {  	s28 =	simm.s32 $_size_execute0_lowered;
	s4 =	sadd.s32 s4, s6;
	[dreg:$0x0] =	wrdreg $0x0  }
0xa9: {  	s6 =	sshll.u32 s28, $0x1;
	[dreg:$0x2] =	wrdreg s4  }
0xaa: {  	[dreg:$0x3] =	wrdreg s6  }
0xab: {  	[dreg:$0x4] =	wrdreg $0xC0  }
0xac: {  	_ =	task [dreg:s8], $0x5FFFF  }
0xad: {  	[dreg:$0x1] =	wrdreg $0xFFFFFFFF  }
0xae: {  	[dreg:$0x0] =	wrdreg $0x60  }
0xaf: {  	[dreg:$0x2] =	wrdreg s18  }
0xb0: {  	[dreg:$0x3] =	wrdreg s2  }
0xb1: {  	[dreg:$0x4] =	wrdreg s24  }
0xb2: {  	[dreg:$0x5] =	wrdreg $0x9  }
0xb3: {  	_ =	task.clear_ibuf [dreg:s8], $0x6FFFF;
	_ =	strace $0x90000046  }
0xb4: {  	s29 =	simm.s32 $0x9;
	_ =	strace $0x80000048  }
0xb5: {  	_ =	swait.ge [sflag:s29], $0x1  }
0xb6: {  	[sflag:s29] =	ssyncadd.s32 $0xFFFFFFFF  }
0xb7: {  	_ =	strace $0x90000048  }
0xb8: {  	_ =	sfence  }
0xb9: {  	s30 =	sld [smem:$0x0];
	_ =	sdelay $0x2  }
0xba: {  	s31 =	sshll.u32 s1, $0xD;
	s1 =	sshrl.u32 s1, $0x2  }
0xbb: {  	s3 =	sand.u32 $0x4000, s31;
	s1 =	sadd.s32 s1, s30  }
0xbc: {  	s0 =	sor.u32 s3, s0;
	s1 =	sshll.u32 s1, $0x11  }
0xbd: {  	s0 =	sor.u32 s1, s0  }
0xbe: {  	s0 =	sadd.s32 $0x8F2B, s0  }
0xbf: {  	[sflag:s0] =	ssyncadd.remote.s32 $0x1  }
0xc0: {  	_ =	sfence.sel $0xFFFF  }
0xc1: {  	[dreg:$0x0] =	wrdreg $0xFFFFFFFF;
	(pc) =	sbr.abs _section_cstart, $3  }
0xc2: {  	[dreg:$0x1] =	wrdreg $0xFFFFFFFF  }
0xc3: {  	_ =	task.clear_ibuf [dreg:s8], $0x2FFFF;
	_ =	strace $0x9FFFFFFF  }
0xc4: {  	(tm) =	ssettm $0x7FFFFFFF  }
0xc5: {  	_ =	shalt  }
tec
execute0_lowered:
.L_overlay_start_1:
0x0: {  	(tag) =	ssettag $0x1  }
0x1: {  	s0 =	rddreg [dreg:$0x0]  }
0x2: {  	s1 =	rddreg [dreg:$0x1]  }
0x3: {  	s2 =	rddreg [dreg:$0x2]  }
0x4: {  	s3 =	simm.s32 $0x0;
	s4 =	srdreg.scid;
	s6 =	stileid.u32  }
0x5: {  	s16 =	simm.s32 $0x9;
	s17 =	simm.s32 $0x200;
	s31 =	simm.s32 $0x6200  }
0x6: {  	s21 =	simm.s32 $0xC200;
	s20 =	simm.s32 $0x15200;
	s22 =	simm.s32 $0x15A00  }
0x7: {  	s28 =	simm.s32 $0x2;
	s29 =	simm.s32 $0x3;
	s30 =	simm.s32 $0x4  }
0x8: {  	[smem:$0x7FF] =	sst s3;
	s4 =	sand.u32 $0x1, s4;
	s6 =	sshll.u32 s6, $0xC  }
0x9: {  	s2 =	sadd.s32 $0xC00, s2;
	s5 =	ssub.s32 $0x2, s4;
	s4 =	sshll.u32 s4, $0xB  }
0xa: {  	_ =	strace $0x80000047;
	s7 =	sshrl.u32 s5, $0x1;
	s4 =	sor.u32 s4, s6  }
0xb: {  	s7 =	ssub.s32 s5, s7;
	s6 =	sshrl.u32 s4, $0x3;
	s5 =	sadd.s32 $0x100, s1  }
0xc: {  	s23 =	sor.u32 $0x80, s4;
	s24 =	sor.u32 $0x40, s4;
	s10 =	sor.u32 $0x60, s4  }
0xd: {  	s4 =	sor.u32 $0xA0, s4;
	s9 =	sadd.s32 s0, s6;
	s8 =	smul.u32 $0x300, s6  }
0xe: {  	s6 =	sadd.s32 $0x200, s1;
	s7 =	smax.u32 s7, $0x1;
	s10 =	sshrl.u32 s10, $0x3  }
0xf: {  	s4 =	sshrl.u32 s4, $0x3;
	[dreg:$0x4] =	wrdreg s9;
	s9 =	sadd.s32 $0x4, s9  }
0x10: {  	[dreg:$0x6] =	wrdreg s7;
	s7 =	sshrl.u32 s23, $0x3;
	s25 =	smul.u32 $0x300, s10  }
0x11: {  	s4 =	sadd.s32 s4, s0;
	s23 =	simm.s32 $0x16200;
	[dreg:$0x5] =	wrdreg s9  }
0x12: {  	s9 =	sadd.s32 s8, s2;
	s8 =	sshrl.u32 s24, $0x3;
	s7 =	sadd.s32 s7, s0  }
0x13: {  	[dreg:$0x8] =	wrdreg s4;
	s24 =	simm.s32 $0x16A00;
	s11 =	smul.u32 $0x300, s8  }
.Ltmp0:
0x14: {  	[dreg:$0x7] =	wrdreg s7;
	s26 =	sadd.s32 s8, s0;
	(pc) =	sbr.rel .LBB2_1-.Ltmp0, $4  }
0x15: {  	s14 =	sadd.s32 s25, s2;
	s0 =	sadd.s32 s10, s0;
	s8 =	simm.s32 $0x1  }
0x16: {  	v2 =	vlaneseq.u32;
	s10 =	simm.s32 $0x12200;
	s25 =	simm.s32 $0x17200;
	[dreg:$0x9] =	wrdreg s26  }
0x17: {  	vm0 =	vmmov $0xffff;
	v1 =	vshrl.u32 v2, $0x3;
	[dreg:$0xa] =	wrdreg s0;
	s26 =	simm.s32 $0x17A00;
	s0 =	simm.s32 $0x5  }
0x18: {  	v0 =	vand.u32 $0x7, v2;
	v2 =	vor.u32 $0x8, v2;
	v1 =	vmul.u32 $0x8, v1;
	s12 =	sadd.s32 s11, s2;
	s2 =	simm.s32 $0x6;
	s11 =	simm.s32 $0x0  }
.LBB2_6:
0x19: {  	_ =	swait.ge [sflag:s0], $0x6000  }
0x1a: {  	[sflag:s0] =	ssyncset.done $0x0  }
0x1b: {  	[sflag:s0] =	ssyncadd.s32 $0xFFFFA000  }
0x1c: {  	_ =	swait.ge [sflag:s2], $0x6000  }
0x1d: {  	[sflag:s2] =	ssyncset.done $0x0  }
0x1e: {  	s4 =	simm.s32 $0x7;
	[sflag:s2] =	ssyncadd.s32 $0xFFFFA000  }
0x1f: {  	_ =	swait.ge [sflag:s4], $0x6000  }
0x20: {  	[sflag:s4] =	ssyncset.done $0x0  }
0x21: {  	s7 =	simm.s32 $0x8;
	[sflag:s4] =	ssyncadd.s32 $0xFFFFA000  }
0x22: {  	_ =	swait.ge [sflag:s7], $0x6000  }
0x23: {  	s11 =	rddreg [dreg:$0xb]  }
0x24: {  	s19 =	rddreg [dreg:$0x6];
	s11 =	sadd.s32 $0x1, s11  }
0x25: {  	p0 =	sne.s32 s11, s19  }
.Ltmp1:
0x26: {  	_ = 	snop;
	(pc) =	sbr.rel @!p0 .LBB2_7-.Ltmp1, $3  }
0x27: {  	_ =	sdelay $0x1  }
0x28: {  	[sflag:s7] =	ssyncset.done $0x0  }
0x29: {  	[sflag:s7] =	ssyncadd.s32 $0xFFFFA000  }
.LBB2_1:
0x2a: {  	[dreg:$0xb] =	wrdreg s11  }
0x2b: {  	s4 =	rddreg [dreg:$0x4]  }
0x2c: {  	[tilespmem:s3], [sflag:$0x9] =	stream.linear.gather [hbm4b:s4+s3], $0x20, $0x38;
	[tilespmem:$0x18200] =	vst v63  }
0x2d: {  	_ =	swait.ge [sflag:s16], $0x20  }
0x2e: {  	[sflag:s16] =	ssyncset.done $0x0  }
0x2f: {  	[sflag:s16] =	ssyncadd.s32 $0xFFFFFFE0  }
0x30: {  	v3 =	vld [tilespmem:$0x0];
	_ =	sdelay $0x4  }
0x31: {  	v4 =	vshrl.u32 v3, $0x3  }
0x32: {  	v4 =	vmul.u32 $0x30, v4  }
0x33: {  	v3 =	vand.u32 $0x7, v3  }
0x34: {  	v3 =	vor.u32 v3, v4  }
0x35: {  	v4 =	vperm.xlane v3, v0;
	_ =	sdelay $0x1  }
0x36: {  	v4 =	vadd.s32 v1, v4;
	_ =	sdelay $0x3  }
0x37: {  	v3 =	vperm.xlane v3, v2  }
0x38: {  	[tilespmem:s17], [sflag:$0x1] =	stream.indirect_vreg.gather [hbm4b:s1+s3], $0x80, v4, vm0, $0xb8;
	[tilespmem:$0x18200] =	vst v63  }
0x39: {  	s7 =	simm.s32 $0xA00;
	v3 =	vadd.s32 v1, v3  }
0x3a: {  	[tilespmem:s7], [sflag:$0x1] =	stream.indirect_vreg.gather [hbm4b:s5+s3], $0x80, v4, vm0, $0xb8;
	[tilespmem:$0x18200] =	vst v63  }
0x3b: {  	s11 =	simm.s32 $0x1200  }
0x3c: {  	[tilespmem:s11], [sflag:$0x1] =	stream.indirect_vreg.gather [hbm4b:s6+s3], $0x80, v4, vm0, $0xb8;
	[tilespmem:$0x18200] =	vst v63  }
0x3d: {  	s13 =	simm.s32 $0x1A00  }
0x3e: {  	[tilespmem:s13], [sflag:$0x1] =	stream.indirect_vreg.gather [hbm4b:s1+s3], $0x80, v3, vm0, $0xb8;
	[tilespmem:$0x18200] =	vst v63  }
0x3f: {  	s15 =	simm.s32 $0x2200  }
0x40: {  	[tilespmem:s15], [sflag:$0x1] =	stream.indirect_vreg.gather [hbm4b:s5+s3], $0x80, v3, vm0, $0xb8;
	[tilespmem:$0x18200] =	vst v63  }
0x41: {  	s18 =	simm.s32 $0x2A00  }
0x42: {  	[tilespmem:s18], [sflag:$0x1] =	stream.indirect_vreg.gather [hbm4b:s6+s3], $0x80, v3, vm0, $0xb8;
	[tilespmem:$0x18200] =	vst v63  }
0x43: {  	v3 =	vld [tilespmem:$0x10];
	_ =	sdelay $0x4  }
0x44: {  	v61 =	vshrl.u32 v3, $0x3  }
0x45: {  	v4 =	vmul.u32 $0x30, v61  }
0x46: {  	v3 =	vand.u32 $0x7, v3  }
0x47: {  	v3 =	vor.u32 v3, v4  }
0x48: {  	v4 =	vperm.xlane v3, v0;
	_ =	sdelay $0x1  }
0x49: {  	v4 =	vadd.s32 v1, v4;
	_ =	sdelay $0x3  }
0x4a: {  	s19 =	simm.s32 $0x3200;
	v3 =	vperm.xlane v3, v2  }
0x4b: {  	[tilespmem:s19], [sflag:$0x1] =	stream.indirect_vreg.gather [hbm4b:s1+s3], $0x80, v4, vm0, $0xb8;
	[tilespmem:$0x18200] =	vst v63  }
0x4c: {  	s7 =	simm.s32 $0x3A00;
	v3 =	vadd.s32 v1, v3  }
0x4d: {  	[tilespmem:s7], [sflag:$0x1] =	stream.indirect_vreg.gather [hbm4b:s5+s3], $0x80, v4, vm0, $0xb8;
	[tilespmem:$0x18200] =	vst v63  }
0x4e: {  	s11 =	simm.s32 $0x4200  }
0x4f: {  	[tilespmem:s11], [sflag:$0x1] =	stream.indirect_vreg.gather [hbm4b:s6+s3], $0x80, v4, vm0, $0xb8;
	[tilespmem:$0x18200] =	vst v63  }
0x50: {  	s13 =	simm.s32 $0x4A00  }
0x51: {  	[tilespmem:s13], [sflag:$0x1] =	stream.indirect_vreg.gather [hbm4b:s1+s3], $0x80, v3, vm0, $0xb8;
	[tilespmem:$0x18200] =	vst v63  }
0x52: {  	s15 =	simm.s32 $0x5200  }
0x53: {  	[tilespmem:s15], [sflag:$0x1] =	stream.indirect_vreg.gather [hbm4b:s5+s3], $0x80, v3, vm0, $0xb8;
	[tilespmem:$0x18200] =	vst v63  }
0x54: {  	s18 =	simm.s32 $0x5A00  }
0x55: {  	[tilespmem:s18], [sflag:$0x1] =	stream.indirect_vreg.gather [hbm4b:s6+s3], $0x80, v3, vm0, $0xb8;
	[tilespmem:$0x18200] =	vst v63  }
0x56: {  	s19 =	rddreg [dreg:$0x5];
	s7 =	simm.s32 $0x80  }
0x57: {  	[tilespmem:s7], [sflag:$0x9] =	stream.linear.gather [hbm4b:s19+s3], $0x20, $0x38;
	[tilespmem:$0x18200] =	vst v63  }
0x58: {  	_ =	swait.ge [sflag:s16], $0x20  }
0x59: {  	[sflag:s16] =	ssyncset.done $0x0  }
0x5a: {  	[sflag:s16] =	ssyncadd.s32 $0xFFFFFFE0  }
0x5b: {  	v3 =	vld [tilespmem:$0x80];
	_ =	sdelay $0x4  }
0x5c: {  	v62 =	vshrl.u32 v3, $0x3  }
0x5d: {  	v4 =	vmul.u32 $0x30, v62  }
0x5e: {  	v3 =	vand.u32 $0x7, v3  }
0x5f: {  	v3 =	vor.u32 v3, v4  }
0x60: {  	v4 =	vperm.xlane v3, v0;
	_ =	sdelay $0x1  }
0x61: {  	v4 =	vadd.s32 v1, v4;
	_ =	sdelay $0x3  }
0x62: {  	v3 =	vperm.xlane v3, v2  }
0x63: {  	[tilespmem:s31], [sflag:$0x2] =	stream.indirect_vreg.gather [hbm4b:s1+s3], $0x80, v4, vm0, $0xb8;
	[tilespmem:$0x18200] =	vst v63  }
0x64: {  	s11 =	simm.s32 $0x6A00;
	v3 =	vadd.s32 v1, v3  }
0x65: {  	[tilespmem:s11], [sflag:$0x2] =	stream.indirect_vreg.gather [hbm4b:s5+s3], $0x80, v4, vm0, $0xb8;
	[tilespmem:$0x18200] =	vst v63  }
0x66: {  	s13 =	simm.s32 $0x7200  }
0x67: {  	[tilespmem:s13], [sflag:$0x2] =	stream.indirect_vreg.gather [hbm4b:s6+s3], $0x80, v4, vm0, $0xb8;
	[tilespmem:$0x18200] =	vst v63  }
0x68: {  	s15 =	simm.s32 $0x7A00  }
0x69: {  	[tilespmem:s15], [sflag:$0x2] =	stream.indirect_vreg.gather [hbm4b:s1+s3], $0x80, v3, vm0, $0xb8;
	[tilespmem:$0x18200] =	vst v63  }
0x6a: {  	s18 =	simm.s32 $0x8200  }
0x6b: {  	[tilespmem:s18], [sflag:$0x2] =	stream.indirect_vreg.gather [hbm4b:s5+s3], $0x80, v3, vm0, $0xb8;
	[tilespmem:$0x18200] =	vst v63  }
0x6c: {  	s19 =	simm.s32 $0x8A00  }
0x6d: {  	[tilespmem:s19], [sflag:$0x2] =	stream.indirect_vreg.gather [hbm4b:s6+s3], $0x80, v3, vm0, $0xb8;
	[tilespmem:$0x18200] =	vst v63  }
0x6e: {  	v3 =	vld [tilespmem:$0x90];
	_ =	sdelay $0x4  }
0x6f: {  	v63 =	vshrl.u32 v3, $0x3  }
0x70: {  	v4 =	vmul.u32 $0x30, v63  }
0x71: {  	v3 =	vand.u32 $0x7, v3  }
0x72: {  	v3 =	vor.u32 v3, v4  }
0x73: {  	v4 =	vperm.xlane v3, v0;
	_ =	sdelay $0x1  }
0x74: {  	v4 =	vadd.s32 v1, v4;
	_ =	sdelay $0x3  }
0x75: {  	s7 =	simm.s32 $0x9200;
	v3 =	vperm.xlane v3, v2  }
0x76: {  	[tilespmem:s7], [sflag:$0x2] =	stream.indirect_vreg.gather [hbm4b:s1+s3], $0x80, v4, vm0, $0xb8;
	[tilespmem:$0x18200] =	vst v63  }
0x77: {  	s11 =	simm.s32 $0x9A00;
	v3 =	vadd.s32 v1, v3  }
0x78: {  	[tilespmem:s11], [sflag:$0x2] =	stream.indirect_vreg.gather [hbm4b:s5+s3], $0x80, v4, vm0, $0xb8;
	[tilespmem:$0x18200] =	vst v63  }
0x79: {  	s13 =	simm.s32 $0xA200  }
0x7a: {  	[tilespmem:s13], [sflag:$0x2] =	stream.indirect_vreg.gather [hbm4b:s6+s3], $0x80, v4, vm0, $0xb8;
	[tilespmem:$0x18200] =	vst v63  }
0x7b: {  	s4 =	rddreg [dreg:$0x9];
	s15 =	simm.s32 $0xAA00  }
0x7c: {  	[tilespmem:s15], [sflag:$0x2] =	stream.indirect_vreg.gather [hbm4b:s1+s3], $0x80, v3, vm0, $0xb8;
	[tilespmem:$0x18200] =	vst v63  }
.Ltmp2:
0x7d: {  	s7 =	rddreg [dreg:$0xa];
	(pc) =	sbr.rel .LBB2_2-.Ltmp2, $4  }
0x7e: {  	s18 =	simm.s32 $0xB200;
	s11 =	rddreg [dreg:$0x8]  }
0x7f: {  	[tilespmem:s18], [sflag:$0x2] =	stream.indirect_vreg.gather [hbm4b:s5+s3], $0x80, v3, vm0, $0xb8;
	[tilespmem:$0x18200] =	vst v63  }
0x80: {  	s19 =	simm.s32 $0xBA00;
	s13 =	rddreg [dreg:$0x7];
	s15 =	simm.s32 $0x0  }
0x81: {  	[tilespmem:s19], [sflag:$0x2] =	stream.indirect_vreg.gather [hbm4b:s6+s3], $0x80, v3, vm0, $0xb8;
	[tilespmem:$0x18200] =	vst v63  }
.LBB2_4:
0x82: {  	_ =	swait.ge [sflag:s29], $0x6000  }
0x83: {  	[sflag:s29] =	ssyncset.done $0x0  }
0x84: {  	[sflag:s29] =	ssyncadd.s32 $0xFFFFA000  }
0x85: {  	[hbm4b:s18+s3] =	stream.linear.scatter [tilespmem:s21], [sflag:$0x7], $0x6000, $0x38;
	[tilespmem:$0x18200] =	vst v63  }
.LBB2_5:
0x86: {  	s18 =	sadd.s32 s15, s14;
	s15 =	sadd.s32 $0x3000, s15  }
0x87: {  	p0 =	sne.s32 s15, $0x30000  }
.Ltmp3:
0x88: {  	_ = 	snop;
	(pc) =	sbr.rel @!p0 .LBB2_6-.Ltmp3, $4  }
0x89: {  	_ =	swait.ge [sflag:s30], $0x6000  }
0x8a: {  	s13 =	sadd.s32 $0x10, s13;
	s11 =	sadd.s32 $0x10, s11;
	[sflag:s30] =	ssyncset.done $0x0  }
0x8b: {  	s4 =	sadd.s32 $0x10, s4;
	s7 =	sadd.s32 $0x10, s7;
	[sflag:s30] =	ssyncadd.s32 $0xFFFFA000  }
0x8c: {  	[hbm4b:s18+s3] =	stream.linear.scatter [tilespmem:s10], [sflag:$0x8], $0x6000, $0x38;
	[tilespmem:$0x18200] =	vst v63  }
.LBB2_2:
0x8d: {  	p0 =	seq.s32 s15, $0x0  }
0x8e: {  	s18 =	simm.s32 @!p0 $0x7  }
0x8f: {  	_ =	swait.ge @!p0 [sflag:s18], $0x6000  }
0x90: {  	[sflag:s18] =	ssyncset.done @!p0 $0x0  }
0x91: {  	s19 =	simm.s32 $0x100;
	[sflag:s18] =	ssyncadd.s32 @!p0 $0xFFFFA000  }
0x92: {  	[tilespmem:s19], [sflag:$0x9] =	stream.linear.gather [hbm4b:s4+s3], $0x20, $0x38;
	[tilespmem:$0x18200] =	vst v63  }
0x93: {  	_ =	swait.ge [sflag:s16], $0x20  }
0x94: {  	[sflag:s16] =	ssyncset.done $0x0  }
0x95: {  	[sflag:s16] =	ssyncadd.s32 $0xFFFFFFE0  }
0x96: {  	v3 =	vld [tilespmem:$0x100];
	_ =	sdelay $0x4  }
0x97: {  	v4 =	vshrl.u32 v3, $0x3  }
0x98: {  	v4 =	vmul.u32 $0x30, v4  }
0x99: {  	v3 =	vand.u32 $0x7, v3  }
0x9a: {  	v3 =	vor.u32 v3, v4  }
0x9b: {  	v4 =	vperm.xlane v3, v0;
	_ =	sdelay $0x1  }
0x9c: {  	v4 =	vadd.s32 v1, v4;
	_ =	sdelay $0x3  }
0x9d: {  	v3 =	vperm.xlane v3, v2  }
0x9e: {  	[tilespmem:s21], [sflag:$0x3] =	stream.indirect_vreg.gather [hbm4b:s1+s3], $0x80, v4, vm0, $0xb8;
	[tilespmem:$0x18200] =	vst v63  }
0x9f: {  	s19 =	simm.s32 $0xCA00;
	v3 =	vadd.s32 v1, v3  }
0xa0: {  	[tilespmem:s19], [sflag:$0x3] =	stream.indirect_vreg.gather [hbm4b:s5+s3], $0x80, v4, vm0, $0xb8;
	[tilespmem:$0x18200] =	vst v63  }
0xa1: {  	s19 =	simm.s32 $0xD200  }
0xa2: {  	[tilespmem:s19], [sflag:$0x3] =	stream.indirect_vreg.gather [hbm4b:s6+s3], $0x80, v4, vm0, $0xb8;
	[tilespmem:$0x18200] =	vst v63  }
0xa3: {  	s19 =	simm.s32 $0xDA00  }
0xa4: {  	[tilespmem:s19], [sflag:$0x3] =	stream.indirect_vreg.gather [hbm4b:s1+s3], $0x80, v3, vm0, $0xb8;
	[tilespmem:$0x18200] =	vst v63  }
0xa5: {  	s19 =	simm.s32 $0xE200  }
0xa6: {  	[tilespmem:s19], [sflag:$0x3] =	stream.indirect_vreg.gather [hbm4b:s5+s3], $0x80, v3, vm0, $0xb8;
	[tilespmem:$0x18200] =	vst v63  }
0xa7: {  	s19 =	simm.s32 $0xEA00  }
0xa8: {  	[tilespmem:s19], [sflag:$0x3] =	stream.indirect_vreg.gather [hbm4b:s6+s3], $0x80, v3, vm0, $0xb8;
	[tilespmem:$0x18200] =	vst v63  }
0xa9: {  	v3 =	vld [tilespmem:$0x110];
	_ =	sdelay $0x4  }
0xaa: {  	v61 =	vshrl.u32 v3, $0x3  }
0xab: {  	v4 =	vmul.u32 $0x30, v61  }
0xac: {  	v3 =	vand.u32 $0x7, v3  }
0xad: {  	v3 =	vor.u32 v3, v4  }
0xae: {  	v4 =	vperm.xlane v3, v0;
	_ =	sdelay $0x1  }
0xaf: {  	v4 =	vadd.s32 v1, v4;
	_ =	sdelay $0x3  }
0xb0: {  	s19 =	simm.s32 $0xF200;
	v3 =	vperm.xlane v3, v2  }
0xb1: {  	[tilespmem:s19], [sflag:$0x3] =	stream.indirect_vreg.gather [hbm4b:s1+s3], $0x80, v4, vm0, $0xb8;
	[tilespmem:$0x18200] =	vst v63  }
0xb2: {  	v3 =	vadd.s32 v1, v3;
	s19 =	simm.s32 $0xFA00  }
0xb3: {  	[tilespmem:s19], [sflag:$0x3] =	stream.indirect_vreg.gather [hbm4b:s5+s3], $0x80, v4, vm0, $0xb8;
	[tilespmem:$0x18200] =	vst v63  }
0xb4: {  	s19 =	simm.s32 $0x10200  }
0xb5: {  	[tilespmem:s19], [sflag:$0x3] =	stream.indirect_vreg.gather [hbm4b:s6+s3], $0x80, v4, vm0, $0xb8;
	[tilespmem:$0x18200] =	vst v63  }
0xb6: {  	s19 =	simm.s32 $0x10A00  }
0xb7: {  	[tilespmem:s19], [sflag:$0x3] =	stream.indirect_vreg.gather [hbm4b:s1+s3], $0x80, v3, vm0, $0xb8;
	[tilespmem:$0x18200] =	vst v63  }
0xb8: {  	s19 =	simm.s32 $0x11200  }
0xb9: {  	[tilespmem:s19], [sflag:$0x3] =	stream.indirect_vreg.gather [hbm4b:s5+s3], $0x80, v3, vm0, $0xb8;
	[tilespmem:$0x18200] =	vst v63  }
0xba: {  	s19 =	simm.s32 $0x11A00  }
0xbb: {  	[tilespmem:s19], [sflag:$0x3] =	stream.indirect_vreg.gather [hbm4b:s6+s3], $0x80, v3, vm0, $0xb8;
	[tilespmem:$0x18200] =	vst v63  }
0xbc: {  	_ =	swait.ge [sflag:s8], $0x6000  }
0xbd: {  	[sflag:s8] =	ssyncset.done $0x0  }
0xbe: {  	s18 =	sadd.s32 s15, s9;
	s19 =	simm.s32 @!p0 $0x8;
	[sflag:s8] =	ssyncadd.s32 $0xFFFFA000  }
0xbf: {  	[hbm4b:s18+s3] =	stream.linear.scatter [tilespmem:s17], [sflag:$0x5], $0x6000, $0x38;
	[tilespmem:$0x18200] =	vst v63  }
0xc0: {  	_ =	swait.ge @!p0 [sflag:s19], $0x6000  }
0xc1: {  	[sflag:s19] =	ssyncset.done @!p0 $0x0  }
0xc2: {  	[sflag:s19] =	ssyncadd.s32 @!p0 $0xFFFFA000;
	s19 =	simm.s32 $0x180  }
0xc3: {  	[tilespmem:s19], [sflag:$0x9] =	stream.linear.gather [hbm4b:s7+s3], $0x20, $0x38;
	[tilespmem:$0x18200] =	vst v63  }
0xc4: {  	_ =	swait.ge [sflag:s16], $0x20  }
0xc5: {  	[sflag:s16] =	ssyncset.done $0x0  }
0xc6: {  	[sflag:s16] =	ssyncadd.s32 $0xFFFFFFE0  }
0xc7: {  	v3 =	vld [tilespmem:$0x180];
	_ =	sdelay $0x4  }
0xc8: {  	v62 =	vshrl.u32 v3, $0x3  }
0xc9: {  	v4 =	vmul.u32 $0x30, v62  }
0xca: {  	v3 =	vand.u32 $0x7, v3  }
0xcb: {  	v3 =	vor.u32 v3, v4  }
0xcc: {  	v4 =	vperm.xlane v3, v0;
	_ =	sdelay $0x1  }
0xcd: {  	v4 =	vadd.s32 v1, v4;
	_ =	sdelay $0x3  }
0xce: {  	v3 =	vperm.xlane v3, v2  }
0xcf: {  	[tilespmem:s10], [sflag:$0x4] =	stream.indirect_vreg.gather [hbm4b:s1+s3], $0x80, v4, vm0, $0xb8;
	[tilespmem:$0x18200] =	vst v63  }
0xd0: {  	s19 =	simm.s32 $0x12A00;
	v3 =	vadd.s32 v1, v3  }
0xd1: {  	[tilespmem:s19], [sflag:$0x4] =	stream.indirect_vreg.gather [hbm4b:s5+s3], $0x80, v4, vm0, $0xb8;
	[tilespmem:$0x18200] =	vst v63  }
0xd2: {  	s19 =	simm.s32 $0x13200  }
0xd3: {  	[tilespmem:s19], [sflag:$0x4] =	stream.indirect_vreg.gather [hbm4b:s6+s3], $0x80, v4, vm0, $0xb8;
	[tilespmem:$0x18200] =	vst v63  }
0xd4: {  	s19 =	simm.s32 $0x13A00  }
0xd5: {  	[tilespmem:s19], [sflag:$0x4] =	stream.indirect_vreg.gather [hbm4b:s1+s3], $0x80, v3, vm0, $0xb8;
	[tilespmem:$0x18200] =	vst v63  }
0xd6: {  	s19 =	simm.s32 $0x14200  }
0xd7: {  	[tilespmem:s19], [sflag:$0x4] =	stream.indirect_vreg.gather [hbm4b:s5+s3], $0x80, v3, vm0, $0xb8;
	[tilespmem:$0x18200] =	vst v63  }
0xd8: {  	s19 =	simm.s32 $0x14A00  }
0xd9: {  	[tilespmem:s19], [sflag:$0x4] =	stream.indirect_vreg.gather [hbm4b:s6+s3], $0x80, v3, vm0, $0xb8;
	[tilespmem:$0x18200] =	vst v63  }
0xda: {  	v3 =	vld [tilespmem:$0x190];
	_ =	sdelay $0x4  }
0xdb: {  	v63 =	vshrl.u32 v3, $0x3  }
0xdc: {  	v4 =	vmul.u32 $0x30, v63  }
0xdd: {  	v3 =	vand.u32 $0x7, v3  }
0xde: {  	v3 =	vor.u32 v3, v4  }
0xdf: {  	v4 =	vperm.xlane v3, v0;
	_ =	sdelay $0x1  }
0xe0: {  	v4 =	vadd.s32 v1, v4;
	_ =	sdelay $0x3  }
0xe1: {  	v3 =	vperm.xlane v3, v2  }
0xe2: {  	[tilespmem:s20], [sflag:$0x4] =	stream.indirect_vreg.gather [hbm4b:s1+s3], $0x80, v4, vm0, $0xb8;
	[tilespmem:$0x18200] =	vst v63  }
0xe3: {  	v3 =	vadd.s32 v1, v3  }
0xe4: {  	[tilespmem:s22], [sflag:$0x4] =	stream.indirect_vreg.gather [hbm4b:s5+s3], $0x80, v4, vm0, $0xb8;
	[tilespmem:$0x18200] =	vst v63  }
0xe5: {  	_ = 	snop  }
0xe6: {  	[tilespmem:s23], [sflag:$0x4] =	stream.indirect_vreg.gather [hbm4b:s6+s3], $0x80, v4, vm0, $0xb8;
	[tilespmem:$0x18200] =	vst v63  }
0xe7: {  	_ = 	snop  }
0xe8: {  	[tilespmem:s24], [sflag:$0x4] =	stream.indirect_vreg.gather [hbm4b:s1+s3], $0x80, v3, vm0, $0xb8;
	[tilespmem:$0x18200] =	vst v63  }
0xe9: {  	_ = 	snop  }
0xea: {  	[tilespmem:s25], [sflag:$0x4] =	stream.indirect_vreg.gather [hbm4b:s5+s3], $0x80, v3, vm0, $0xb8;
	[tilespmem:$0x18200] =	vst v63  }
0xeb: {  	p0 =	seq.s32 s15, $0x2D000  }
0xec: {  	[tilespmem:s26], [sflag:$0x4] =	stream.indirect_vreg.gather [hbm4b:s6+s3], $0x80, v3, vm0, $0xb8;
	[tilespmem:$0x18200] =	vst v63  }
.Ltmp4:
0xed: {  	_ =	swait.ge [sflag:s28], $0x6000;
	(pc) =	sbr.rel @p0 .LBB2_4-.Ltmp4, $4  }
0xee: {  	[sflag:s28] =	ssyncset.done $0x0  }
0xef: {  	s18 =	sadd.s32 $0xC00, s18;
	[sflag:s28] =	ssyncadd.s32 $0xFFFFA000  }
0xf0: {  	[hbm4b:s18+s3] =	stream.linear.scatter [tilespmem:s31], [sflag:$0x6], $0x6000, $0x38;
	[tilespmem:$0x18200] =	vst v63  }
0xf1: {  	s18 =	sadd.s32 s15, s12  }
0xf2: {  	_ =	swait.ge [sflag:s0], $0x6000  }
0xf3: {  	[sflag:s0] =	ssyncset.done $0x0  }
0xf4: {  	[sflag:s0] =	ssyncadd.s32 $0xFFFFA000  }
0xf5: {  	[tilespmem:s3], [sflag:$0x9] =	stream.linear.gather [hbm4b:s13+s3], $0x20, $0x38;
	[tilespmem:$0x18200] =	vst v63  }
0xf6: {  	_ =	swait.ge [sflag:s16], $0x20  }
0xf7: {  	[sflag:s16] =	ssyncset.done $0x0  }
0xf8: {  	[sflag:s16] =	ssyncadd.s32 $0xFFFFFFE0  }
0xf9: {  	v3 =	vld [tilespmem:$0x0];
	_ =	sdelay $0x4  }
0xfa: {  	v4 =	vshrl.u32 v3, $0x3  }
0xfb: {  	v4 =	vmul.u32 $0x30, v4  }
0xfc: {  	v3 =	vand.u32 $0x7, v3  }
0xfd: {  	v3 =	vor.u32 v3, v4  }
0xfe: {  	v4 =	vperm.xlane v3, v0;
	_ =	sdelay $0x1  }
0xff: {  	v4 =	vadd.s32 v1, v4;
	_ =	sdelay $0x3  }
0x100: {  	v3 =	vperm.xlane v3, v2  }
0x101: {  	[tilespmem:s17], [sflag:$0x1] =	stream.indirect_vreg.gather [hbm4b:s1+s3], $0x80, v4, vm0, $0xb8;
	[tilespmem:$0x18200] =	vst v63  }
0x102: {  	s19 =	simm.s32 $0xA00;
	v3 =	vadd.s32 v1, v3  }
0x103: {  	[tilespmem:s19], [sflag:$0x1] =	stream.indirect_vreg.gather [hbm4b:s5+s3], $0x80, v4, vm0, $0xb8;
	[tilespmem:$0x18200] =	vst v63  }
0x104: {  	s19 =	simm.s32 $0x1200  }
0x105: {  	[tilespmem:s19], [sflag:$0x1] =	stream.indirect_vreg.gather [hbm4b:s6+s3], $0x80, v4, vm0, $0xb8;
	[tilespmem:$0x18200] =	vst v63  }
0x106: {  	s19 =	simm.s32 $0x1A00  }
0x107: {  	[tilespmem:s19], [sflag:$0x1] =	stream.indirect_vreg.gather [hbm4b:s1+s3], $0x80, v3, vm0, $0xb8;
	[tilespmem:$0x18200] =	vst v63  }
0x108: {  	s19 =	simm.s32 $0x2200  }
0x109: {  	[tilespmem:s19], [sflag:$0x1] =	stream.indirect_vreg.gather [hbm4b:s5+s3], $0x80, v3, vm0, $0xb8;
	[tilespmem:$0x18200] =	vst v63  }
0x10a: {  	s19 =	simm.s32 $0x2A00  }
0x10b: {  	[tilespmem:s19], [sflag:$0x1] =	stream.indirect_vreg.gather [hbm4b:s6+s3], $0x80, v3, vm0, $0xb8;
	[tilespmem:$0x18200] =	vst v63  }
0x10c: {  	v3 =	vld [tilespmem:$0x10];
	_ =	sdelay $0x4  }
0x10d: {  	v61 =	vshrl.u32 v3, $0x3  }
0x10e: {  	v4 =	vmul.u32 $0x30, v61  }
0x10f: {  	v3 =	vand.u32 $0x7, v3  }
0x110: {  	v3 =	vor.u32 v3, v4  }
0x111: {  	v4 =	vperm.xlane v3, v0;
	_ =	sdelay $0x1  }
0x112: {  	v4 =	vadd.s32 v1, v4;
	_ =	sdelay $0x3  }
0x113: {  	s19 =	simm.s32 $0x3200;
	v3 =	vperm.xlane v3, v2  }
0x114: {  	[tilespmem:s19], [sflag:$0x1] =	stream.indirect_vreg.gather [hbm4b:s1+s3], $0x80, v4, vm0, $0xb8;
	[tilespmem:$0x18200] =	vst v63  }
0x115: {  	v3 =	vadd.s32 v1, v3;
	s19 =	simm.s32 $0x3A00  }
0x116: {  	[tilespmem:s19], [sflag:$0x1] =	stream.indirect_vreg.gather [hbm4b:s5+s3], $0x80, v4, vm0, $0xb8;
	[tilespmem:$0x18200] =	vst v63  }
0x117: {  	s19 =	simm.s32 $0x4200  }
0x118: {  	[tilespmem:s19], [sflag:$0x1] =	stream.indirect_vreg.gather [hbm4b:s6+s3], $0x80, v4, vm0, $0xb8;
	[tilespmem:$0x18200] =	vst v63  }
0x119: {  	s19 =	simm.s32 $0x4A00  }
0x11a: {  	[tilespmem:s19], [sflag:$0x1] =	stream.indirect_vreg.gather [hbm4b:s1+s3], $0x80, v3, vm0, $0xb8;
	[tilespmem:$0x18200] =	vst v63  }
0x11b: {  	s19 =	simm.s32 $0x5200  }
0x11c: {  	[tilespmem:s19], [sflag:$0x1] =	stream.indirect_vreg.gather [hbm4b:s5+s3], $0x80, v3, vm0, $0xb8;
	[tilespmem:$0x18200] =	vst v63  }
0x11d: {  	s19 =	simm.s32 $0x5A00  }
0x11e: {  	[tilespmem:s19], [sflag:$0x1] =	stream.indirect_vreg.gather [hbm4b:s6+s3], $0x80, v3, vm0, $0xb8;
	[tilespmem:$0x18200] =	vst v63  }
0x11f: {  	_ =	swait.ge [sflag:s29], $0x6000  }
0x120: {  	[sflag:s29] =	ssyncset.done $0x0  }
0x121: {  	[sflag:s29] =	ssyncadd.s32 $0xFFFFA000  }
0x122: {  	[hbm4b:s18+s3] =	stream.linear.scatter [tilespmem:s21], [sflag:$0x7], $0x6000, $0x38;
	[tilespmem:$0x18200] =	vst v63  }
0x123: {  	_ =	swait.ge [sflag:s2], $0x6000  }
0x124: {  	[sflag:s2] =	ssyncset.done $0x0  }
0x125: {  	s19 =	simm.s32 $0x80;
	[sflag:s2] =	ssyncadd.s32 $0xFFFFA000  }
0x126: {  	[tilespmem:s19], [sflag:$0x9] =	stream.linear.gather [hbm4b:s11+s3], $0x20, $0x38;
	[tilespmem:$0x18200] =	vst v63  }
0x127: {  	_ =	swait.ge [sflag:s16], $0x20  }
0x128: {  	[sflag:s16] =	ssyncset.done $0x0  }
0x129: {  	[sflag:s16] =	ssyncadd.s32 $0xFFFFFFE0  }
0x12a: {  	v3 =	vld [tilespmem:$0x80];
	_ =	sdelay $0x4  }
0x12b: {  	v62 =	vshrl.u32 v3, $0x3  }
0x12c: {  	v4 =	vmul.u32 $0x30, v62  }
0x12d: {  	v3 =	vand.u32 $0x7, v3  }
0x12e: {  	v3 =	vor.u32 v3, v4  }
0x12f: {  	v4 =	vperm.xlane v3, v0;
	_ =	sdelay $0x1  }
0x130: {  	v4 =	vadd.s32 v1, v4;
	_ =	sdelay $0x3  }
0x131: {  	v3 =	vperm.xlane v3, v2  }
0x132: {  	[tilespmem:s31], [sflag:$0x2] =	stream.indirect_vreg.gather [hbm4b:s1+s3], $0x80, v4, vm0, $0xb8;
	[tilespmem:$0x18200] =	vst v63  }
0x133: {  	s19 =	simm.s32 $0x6A00;
	v3 =	vadd.s32 v1, v3  }
0x134: {  	[tilespmem:s19], [sflag:$0x2] =	stream.indirect_vreg.gather [hbm4b:s5+s3], $0x80, v4, vm0, $0xb8;
	[tilespmem:$0x18200] =	vst v63  }
0x135: {  	s19 =	simm.s32 $0x7200  }
0x136: {  	[tilespmem:s19], [sflag:$0x2] =	stream.indirect_vreg.gather [hbm4b:s6+s3], $0x80, v4, vm0, $0xb8;
	[tilespmem:$0x18200] =	vst v63  }
0x137: {  	s19 =	simm.s32 $0x7A00  }
0x138: {  	[tilespmem:s19], [sflag:$0x2] =	stream.indirect_vreg.gather [hbm4b:s1+s3], $0x80, v3, vm0, $0xb8;
	[tilespmem:$0x18200] =	vst v63  }
0x139: {  	s19 =	simm.s32 $0x8200  }
0x13a: {  	[tilespmem:s19], [sflag:$0x2] =	stream.indirect_vreg.gather [hbm4b:s5+s3], $0x80, v3, vm0, $0xb8;
	[tilespmem:$0x18200] =	vst v63  }
0x13b: {  	s19 =	simm.s32 $0x8A00  }
0x13c: {  	[tilespmem:s19], [sflag:$0x2] =	stream.indirect_vreg.gather [hbm4b:s6+s3], $0x80, v3, vm0, $0xb8;
	[tilespmem:$0x18200] =	vst v63  }
0x13d: {  	v3 =	vld [tilespmem:$0x90];
	_ =	sdelay $0x4  }
0x13e: {  	v63 =	vshrl.u32 v3, $0x3  }
0x13f: {  	v4 =	vmul.u32 $0x30, v63  }
0x140: {  	v3 =	vand.u32 $0x7, v3  }
0x141: {  	v3 =	vor.u32 v3, v4  }
0x142: {  	v4 =	vperm.xlane v3, v0;
	_ =	sdelay $0x1  }
0x143: {  	v4 =	vadd.s32 v1, v4;
	_ =	sdelay $0x3  }
0x144: {  	s19 =	simm.s32 $0x9200;
	v3 =	vperm.xlane v3, v2  }
0x145: {  	[tilespmem:s19], [sflag:$0x2] =	stream.indirect_vreg.gather [hbm4b:s1+s3], $0x80, v4, vm0, $0xb8;
	[tilespmem:$0x18200] =	vst v63  }
0x146: {  	v3 =	vadd.s32 v1, v3;
	s19 =	simm.s32 $0x9A00  }
0x147: {  	[tilespmem:s19], [sflag:$0x2] =	stream.indirect_vreg.gather [hbm4b:s5+s3], $0x80, v4, vm0, $0xb8;
	[tilespmem:$0x18200] =	vst v63  }
0x148: {  	s19 =	simm.s32 $0xA200  }
0x149: {  	[tilespmem:s19], [sflag:$0x2] =	stream.indirect_vreg.gather [hbm4b:s6+s3], $0x80, v4, vm0, $0xb8;
	[tilespmem:$0x18200] =	vst v63  }
0x14a: {  	s19 =	simm.s32 $0xAA00  }
0x14b: {  	[tilespmem:s19], [sflag:$0x2] =	stream.indirect_vreg.gather [hbm4b:s1+s3], $0x80, v3, vm0, $0xb8;
	[tilespmem:$0x18200] =	vst v63  }
.Ltmp5:
0x14c: {  	_ = 	snop;
	(pc) =	sbr.rel .LBB2_5-.Ltmp5, $4  }
0x14d: {  	s19 =	simm.s32 $0xB200  }
0x14e: {  	[tilespmem:s19], [sflag:$0x2] =	stream.indirect_vreg.gather [hbm4b:s5+s3], $0x80, v3, vm0, $0xb8;
	[tilespmem:$0x18200] =	vst v63  }
0x14f: {  	s19 =	simm.s32 $0xBA00  }
0x150: {  	[tilespmem:s19], [sflag:$0x2] =	stream.indirect_vreg.gather [hbm4b:s6+s3], $0x80, v3, vm0, $0xb8;
	[tilespmem:$0x18200] =	vst v63  }
.LBB2_7:
0x151: {  	_ =	sfence.sel $0x180000  }
0x152: {  	[bflag:$0x0] =	sbarrier.arrive $0xFFFF  }
0x153: {  	_ =	strace $0x90000047  }
0x154: {  	s0 =	stileid.u32;
	[bflag:$0x2] =	sbarrier.arrive $0xFFFF  }
0x155: {  	p0 =	sne.s32 s0, $0x0;
	s0 =	rddreg [dreg:$0x3]  }
0x156: {  	s0 =	sadd.s32 @!p0 $0x100000, s0  }
0x157: {  	[sflag:s0] =	ssyncadd.tile.s32 @!p0 $0x1;
	_ =	shalt  }
.Lfunc_end2:
_tile_overlayer_lowered:
.L_overlay_start_2:
0x158: {  	(tag) =	ssettag $0x2  }
0x159: {  	s0 =	rddreg [dreg:$0x0];
	s2 =	stileid.u32  }
0x15a: {  	s1 =	rddreg [dreg:$0x1];
	p0 =	sne.s32 s2, $0x0  }
0x15b: {  	s3 =	rddreg [dreg:$0x2];
	[bflag:$0x3] =	sbarrier.arrive $0xFFFF;
	s2 =	simm.s32 @!p0 $0x1C09  }
0x15c: {  	[timem:s3], [sflag:s2] =	dma.local @!p0 [hbm:s0], s1  }
0x15d: {  	s0 =	simm.s32 @!p0 $0x9  }
0x15e: {  	_ =	swait.ge @!p0 [sflag:s0], s1  }
0x15f: {  	s1 =	ssub.s32 @!p0 $0x0, s1;
	[sflag:s0] =	ssyncset.done @!p0 $0x0  }
0x160: {  	[sflag:s0] =	ssyncadd.s32 @!p0 s1  }
0x161: {  	[bflag:$0x3] =	sbarrier.arrive $0xFFFF  }
0x162: {  	_ =	shalt  }

</sc_bundles>
